<compile_context>
chip_gen: v7x
topology: tpu7x:2x2x1
jax: 0.10.2.dev20260603
libtpu: 0.0.44.dev20260713+nightly
codegen_flags: <defaults>
</compile_context>

<pallas_src>
import functools

import jax
import jax.numpy as jnp
from jax import lax
from jax.experimental import pallas as pl
from jax.experimental.pallas import tpu as pltpu
from jax.experimental.pallas import tpu_sc as plsc

N_NODES = 10000
D = 128
E_EDGES = 320000

NC = 2
NS = 16
NW = NC * NS

CHUNK = 128
CH_C0 = 135
CH_C1 = 23
TOT_CH = NS * (CH_C0 + CH_C1)
ALLOC_PAD = 2

ZROWS = 632
N_ACC = NS * ZROWS
OPT = ZROWS

ROW_BLK = 2000



def _sc_agg_body(h_hbm, edges_hbm, zeros_hbm, out_hbm,
                 idx_a, idx_b, rows_a, rows_b, agg_sh, sem_a, sem_b):
    c = lax.axis_index("c")
    s = lax.axis_index("s")
    base = jnp.where(c == 0, s * CH_C0, NS * CH_C0 + s * CH_C1)
    nch = jnp.where(c == 0, CH_C0, CH_C1)

    pltpu.sync_copy(zeros_hbm, agg_sh.at[pl.ds(s * ZROWS, ZROWS)])
    pltpu.sync_copy(edges_hbm.at[base], idx_a)
    plsc.subcore_barrier()

    pltpu.async_copy(h_hbm.at[idx_a.at[0]], rows_a, sem_a)
    pltpu.sync_copy(edges_hbm.at[base + 1], idx_b)

    def step(i, _):
        j = base + 2 * i
        pltpu.async_copy(h_hbm.at[idx_b.at[0]], rows_b, sem_b)
        pltpu.make_async_copy(h_hbm.at[idx_a.at[0]], rows_a, sem_a).wait()
        pltpu.sync_copy(rows_a, agg_sh.at[idx_a.at[1]], add=True)
        pltpu.sync_copy(edges_hbm.at[j + 2], idx_a)
        pltpu.async_copy(h_hbm.at[idx_a.at[0]], rows_a, sem_a)
        pltpu.make_async_copy(h_hbm.at[idx_b.at[0]], rows_b, sem_b).wait()
        pltpu.sync_copy(rows_b, agg_sh.at[idx_b.at[1]], add=True)
        pltpu.sync_copy(edges_hbm.at[j + 3], idx_b)
        return _

    lax.fori_loop(0, (nch - 1) // 2, step, None, unroll=False)
    pltpu.make_async_copy(h_hbm.at[idx_a.at[0]], rows_a, sem_a).wait()
    pltpu.sync_copy(rows_a, agg_sh.at[idx_a.at[1]], add=True)

    plsc.subcore_barrier()
    pltpu.sync_copy(agg_sh.at[pl.ds(s * OPT, OPT)],
                    out_hbm.at[c].at[pl.ds(s * OPT, OPT)])


_sc_agg = functools.partial(
    pl.kernel,
    out_type=jax.ShapeDtypeStruct((NC, N_ACC, D), jnp.float32),
    mesh=plsc.VectorSubcoreMesh(core_axis_name="c", subcore_axis_name="s"),
    scratch_types=[
        pltpu.VMEM((2, CHUNK), jnp.int32),
        pltpu.VMEM((2, CHUNK), jnp.int32),
        pltpu.VMEM((CHUNK, D), jnp.float32),
        pltpu.VMEM((CHUNK, D), jnp.float32),
        pltpu.VMEM_SHARED((N_ACC, D), jnp.float32),
        pltpu.SemaphoreType.DMA,
        pltpu.SemaphoreType.DMA,
    ],
)(_sc_agg_body)



def _pre_body(x_ref, w_ref, b_ref, o_ref):
    acc = jnp.dot(x_ref[...], w_ref[...], preferred_element_type=jnp.float32)
    o_ref[...] = jnp.maximum(acc + b_ref[...], 0.0)


def _mid_body(p_ref, w_ref, b_ref, o_ref):
    agg = p_ref[0] + p_ref[1]
    acc = jnp.dot(agg, w_ref[...], preferred_element_type=jnp.float32)
    o_ref[...] = jnp.maximum(acc + b_ref[...], 0.0)


def _final_body(p_ref, w1_ref, b1_ref, wp_ref, bp_ref, o_ref):
    agg = p_ref[0] + p_ref[1]
    h = jnp.dot(agg, w1_ref[...], preferred_element_type=jnp.float32)
    h = jnp.maximum(h + b1_ref[...], 0.0)
    nrm = jnp.sqrt(jnp.sum(h * h, axis=1, keepdims=True))
    h = h / (nrm + 1e-12)
    o_ref[...] = (jnp.dot(h, wp_ref[...], preferred_element_type=jnp.float32)
                  + bp_ref[...])


_W_SPEC = pl.BlockSpec((D, D), lambda i: (0, 0))
_B_SPEC = pl.BlockSpec((1, D), lambda i: (0, 0))
_X_SPEC = pl.BlockSpec((ROW_BLK, D), lambda i: (i, 0))
_P_SPEC = pl.BlockSpec((NC, ROW_BLK, D), lambda i: (0, i, 0))
_OUT_SHAPE = jax.ShapeDtypeStruct((N_NODES, D), jnp.float32)

_tc_pre = pl.pallas_call(
    _pre_body, grid=(N_NODES // ROW_BLK,),
    in_specs=[_X_SPEC, _W_SPEC, _B_SPEC],
    out_specs=_X_SPEC, out_shape=_OUT_SHAPE)

_tc_mid = pl.pallas_call(
    _mid_body, grid=(N_NODES // ROW_BLK,),
    in_specs=[_P_SPEC, _W_SPEC, _B_SPEC],
    out_specs=_X_SPEC, out_shape=_OUT_SHAPE)

_tc_final = pl.pallas_call(
    _final_body, grid=(N_NODES // ROW_BLK,),
    in_specs=[_P_SPEC, _W_SPEC, _B_SPEC, _W_SPEC, _B_SPEC],
    out_specs=_X_SPEC, out_shape=_OUT_SHAPE)



def kernel(x, edge_index, W_pre, b_pre, W0, b0, W1, b1, W_post, b_post):
    src = edge_index[0]
    dst = edge_index[1]
    pad = TOT_CH * CHUNK - E_EDGES
    src2 = jnp.concatenate(
        [src, jnp.zeros((pad,), jnp.int32)]).reshape(TOT_CH, CHUNK)
    dst2 = jnp.concatenate(
        [dst, jnp.full((pad,), N_NODES, jnp.int32)]).reshape(TOT_CH, CHUNK)
    edges = jnp.stack([src2, dst2], axis=1)
    edges = jnp.pad(edges, ((0, ALLOC_PAD), (0, 0), (0, 0)))
    zeros = jnp.zeros((ZROWS, D), jnp.float32)

    b_pre2 = b_pre.reshape(1, D)
    b02 = b0.reshape(1, D)
    b12 = b1.reshape(1, D)
    b_post2 = b_post.reshape(1, D)

    h = _tc_pre(x, W_pre, b_pre2)
    p = _sc_agg(h, edges, zeros)
    h = _tc_mid(p, W0, b02)
    p = _sc_agg(h, edges, zeros)
    return _tc_final(p, W1, b12, W_post, b_post2)

# --- scband reference (transcript-rebuilt; emitter-appended) ---
"""Pipeline reference for scband-roland-27410481283210 (READ-ONLY COPY).

The authoritative reference and input builder live on the scoring server;
editing this copy changes nothing except your own understanding.
"""

import jax, jax.numpy as jnp
import numpy as np

N = 10000
E = 320000
D_IN = 128
D_INNER = 128
D_OUT = 128
NUM_LAYERS = 2


def setup_inputs(seed: int = 0) -> dict:
    key = jax.random.key(seed)
    ks = jax.random.split(key, 12)
    x = jax.random.normal(ks[0], (N, D_IN), dtype=jnp.float32)
    edge_index = jax.random.randint(ks[1], (2, E), 0, N).astype(jnp.int32)
    s_in = 1.0 / np.sqrt(D_IN)
    s_inner = 1.0 / np.sqrt(D_INNER)
    W_pre = jax.random.normal(ks[2], (D_IN, D_INNER), dtype=jnp.float32) * s_in
    b_pre = jnp.zeros((D_INNER,), dtype=jnp.float32)
    W0 = jax.random.normal(ks[3], (D_INNER, D_INNER), dtype=jnp.float32) * s_inner
    b0 = jnp.zeros((D_INNER,), dtype=jnp.float32)
    W1 = jax.random.normal(ks[4], (D_INNER, D_INNER), dtype=jnp.float32) * s_inner
    b1 = jnp.zeros((D_INNER,), dtype=jnp.float32)
    W_post = jax.random.normal(ks[5], (D_INNER, D_OUT), dtype=jnp.float32) * s_inner
    b_post = jnp.zeros((D_OUT,), dtype=jnp.float32)
    return {"x": x, "edge_index": edge_index, "W_pre": W_pre, "b_pre": b_pre,
            "W0": W0, "b0": b0, "W1": W1, "b1": b1,
            "W_post": W_post, "b_post": b_post}


def _mp_layer(h, src, dst, W, b):
    # message passing: gather messages from src nodes, scatter-add to dst nodes
    msg = jnp.take(h, src, axis=0)
    agg = jax.ops.segment_sum(msg, dst, num_segments=N)
    return jax.nn.relu(agg @ W + b)


def reference(x, edge_index, W_pre, b_pre, W0, b0, W1, b1, W_post, b_post):
    src = edge_index[0]
    dst = edge_index[1]
    # Preprocess: linear encoder + activation
    h = jax.nn.relu(x @ W_pre + b_pre)
    # GNNStackStage: stacked message-passing layers with activation
    h = _mp_layer(h, src, dst, W0, b0)
    h = _mp_layer(h, src, dst, W1, b1)
    # l2norm on node features (cfg.gnn.l2norm = True)
    h = h / (jnp.linalg.norm(h, axis=-1, keepdims=True) + 1e-12)
    # Postprocess: linear head
    out = h @ W_post + b_post
    return out

if __name__ == "__main__":
    import jax
    _d = setup_inputs()
    print(jax.jit(kernel)(*tuple(_d.values())))

</pallas_src>

<mosaic_0001>
#map = affine_map<(d0, d1) -> (0, 0)>
#map1 = affine_map<(d0, d1) -> (0, 0, 0)>
module attributes {stable_mosaic.version = 14 : i64} {
  func.func @_sc_agg_body(%arg0: i32, %arg1: i32, %arg2: memref<10000x128xf32, #tpu.memory_space<hbm>>, %arg3: memref<2530x2x128xi32, #tpu.memory_space<hbm>>, %arg4: memref<632x128xf32, #tpu.memory_space<hbm>>, %arg5: memref<2x10112x128xf32, #tpu.memory_space<hbm>>, %arg6: memref<2x128xi32, #tpu.memory_space<vmem>>, %arg7: memref<2x128xi32, #tpu.memory_space<vmem>>, %arg8: memref<128x128xf32, #tpu.memory_space<vmem>>, %arg9: memref<128x128xf32, #tpu.memory_space<vmem>>, %arg10: memref<10112x128xf32, #tpu.memory_space<vmem_shared>>, %arg11: memref<!tpu.dma_semaphore, #tpu.memory_space<semaphore_mem>>, %arg12: memref<!tpu.dma_semaphore, #tpu.memory_space<semaphore_mem>>) attributes {dimension_semantics = [#tpu.dimension_semantics<core_parallel>, #tpu.dimension_semantics<subcore_parallel>], iteration_bounds = array<i64: 2, 16>, scalar_prefetch = 0 : i64, scratch_operands = 7 : i64, tpu.core_type = #tpu.core_type<sc_vector_subcore>, window_params = [{transform_indices = #map}, {transform_indices = #map1}, {transform_indices = #map}, {transform_indices = #map1}]} {
    %eq3A = arith.constant 0 : i32
    %eq3A_0 = arith.cmpi eq, %arg0, %eq3A : i32
    %mul3A = arith.constant 135 : i32
    %mul3A_1 = arith.muli %arg1, %mul3A : i32
    %mul3A_2 = arith.constant 23 : i32
    %mul3A_3 = arith.muli %arg1, %mul3A_2 : i32
    %add3A = arith.constant 2160 : i32
    %add3A_4 = arith.addi %add3A, %mul3A_3 : i32
    %select_n3A = arith.select %eq3A_0, %mul3A_1, %add3A_4 : i32
    %eq3A_5 = arith.constant 0 : i32
    %eq3A_6 = arith.cmpi eq, %arg0, %eq3A_5 : i32
    %jit3A = arith.constant 135 : i32
    %jit3A_7 = arith.constant 23 : i32
    %select_n3A_8 = arith.select %eq3A_6, %jit3A, %jit3A_7 : i32
    %mul3A_9 = arith.constant 632 : i32
    %mul3A_10 = arith.muli %arg1, %mul3A_9 : i32
    "tpu.region"() ({
      %run_scoped3A_58 = tpu.sem_alloc : memref<!tpu.dma_semaphore, #tpu.memory_space<semaphore_mem>>
      %dma_start3A_59 = arith.constant 0 : i32
      %dma_start3A_60 = tpu.memref_slice %arg10[%mul3A_10, %dma_start3A_59] : memref<10112x128xf32, #tpu.memory_space<vmem_shared>> -> memref<632x128xf32, #tpu.memory_space<vmem_shared>>
      tpu.enqueue_dma source(%arg4 : memref<632x128xf32, #tpu.memory_space<hbm>>) target(%dma_start3A_60 : memref<632x128xf32, #tpu.memory_space<vmem_shared>>) target_semaphore(%run_scoped3A_58 : memref<!tpu.dma_semaphore, #tpu.memory_space<semaphore_mem>>)
      %dma_wait3A_61 = arith.constant 0 : i32
      %dma_wait3A_62 = tpu.memref_slice %arg10[%mul3A_10, %dma_wait3A_61] : memref<10112x128xf32, #tpu.memory_space<vmem_shared>> -> memref<632x128xf32, #tpu.memory_space<vmem_shared>>
      tpu.wait_dma2 semaphore(%run_scoped3A_58 : memref<!tpu.dma_semaphore, #tpu.memory_space<semaphore_mem>>) src(%arg4 : memref<632x128xf32, #tpu.memory_space<hbm>>) dst(%dma_wait3A_62 : memref<632x128xf32, #tpu.memory_space<vmem_shared>>)
      tpu.yield
    }) : () -> ()
    "tpu.region"() ({
      %run_scoped3A_58 = tpu.sem_alloc : memref<!tpu.dma_semaphore, #tpu.memory_space<semaphore_mem>>
      %dma_start3A_59 = arith.constant 0 : i32
      %dma_start3A_60 = arith.constant 0 : i32
      %dma_start3A_61 = tpu.memref_slice %arg3[%select_n3A, %dma_start3A_59, %dma_start3A_60] : memref<2530x2x128xi32, #tpu.memory_space<hbm>> -> memref<1x2x128xi32, #tpu.memory_space<hbm>>
      %dma_start3A_62 = tpu.memref_squeeze %dma_start3A_61 : memref<1x2x128xi32, #tpu.memory_space<hbm>> -> memref<2x128xi32, #tpu.memory_space<hbm>>
      %dma_start3A_63 = arith.constant 0 : i32
      %dma_start3A_64 = arith.constant 0 : i32
      %dma_start3A_65 = tpu.memref_slice %arg3[%select_n3A, %dma_start3A_63, %dma_start3A_64] : memref<2530x2x128xi32, #tpu.memory_space<hbm>> -> memref<1x2x128xi32, #tpu.memory_space<hbm>>
      %dma_start3A_66 = tpu.memref_squeeze %dma_start3A_65 : memref<1x2x128xi32, #tpu.memory_space<hbm>> -> memref<2x128xi32, #tpu.memory_space<hbm>>
      tpu.enqueue_dma source(%dma_start3A_66 : memref<2x128xi32, #tpu.memory_space<hbm>>) target(%arg6 : memref<2x128xi32, #tpu.memory_space<vmem>>) target_semaphore(%run_scoped3A_58 : memref<!tpu.dma_semaphore, #tpu.memory_space<semaphore_mem>>)
      %dma_wait3A_67 = arith.constant 0 : i32
      %dma_wait3A_68 = arith.constant 0 : i32
      %dma_wait3A_69 = tpu.memref_slice %arg3[%select_n3A, %dma_wait3A_67, %dma_wait3A_68] : memref<2530x2x128xi32, #tpu.memory_space<hbm>> -> memref<1x2x128xi32, #tpu.memory_space<hbm>>
      %dma_wait3A_70 = tpu.memref_squeeze %dma_wait3A_69 : memref<1x2x128xi32, #tpu.memory_space<hbm>> -> memref<2x128xi32, #tpu.memory_space<hbm>>
      %dma_wait3A_71 = arith.constant 0 : i32
      %dma_wait3A_72 = arith.constant 0 : i32
      %dma_wait3A_73 = tpu.memref_slice %arg3[%select_n3A, %dma_wait3A_71, %dma_wait3A_72] : memref<2530x2x128xi32, #tpu.memory_space<hbm>> -> memref<1x2x128xi32, #tpu.memory_space<hbm>>
      %dma_wait3A_74 = tpu.memref_squeeze %dma_wait3A_73 : memref<1x2x128xi32, #tpu.memory_space<hbm>> -> memref<2x128xi32, #tpu.memory_space<hbm>>
      tpu.wait_dma2 semaphore(%run_scoped3A_58 : memref<!tpu.dma_semaphore, #tpu.memory_space<semaphore_mem>>) src(%dma_wait3A_74 : memref<2x128xi32, #tpu.memory_space<hbm>>) dst(%arg6 : memref<2x128xi32, #tpu.memory_space<vmem>>)
      tpu.yield
    }) : () -> ()
    %barrier3A = arith.constant 0 : index
    tpu.barrier barrier_id(%barrier3A)
    %dma_start3A = arith.constant 0 : i32
    %dma_start3A_11 = arith.constant 0 : i32
    %dma_start3A_12 = tpu.memref_slice %arg6[%dma_start3A, %dma_start3A_11] : memref<2x128xi32, #tpu.memory_space<vmem>> -> memref<1x128xi32, #tpu.memory_space<vmem>>
    %dma_start3A_13 = tpu.memref_squeeze %dma_start3A_12 : memref<1x128xi32, #tpu.memory_space<vmem>> -> memref<128xi32, #tpu.memory_space<vmem>>
    %dma_start3A_14 = arith.constant 0 : i32
    %dma_start3A_15 = arith.constant 0 : i32
    %dma_start3A_16 = tpu.memref_slice %arg2[%dma_start3A_14, %dma_start3A_15] : memref<10000x128xf32, #tpu.memory_space<hbm>> -> memref<10000x128xf32, #tpu.memory_space<hbm>>
    tpu.enqueue_indirect_dma source(%dma_start3A_16 : memref<10000x128xf32, #tpu.memory_space<hbm>>) target(%arg8 : memref<128x128xf32, #tpu.memory_space<vmem>>) offsets(%dma_start3A_13 : memref<128xi32, #tpu.memory_space<vmem>>) semaphore(%arg11 : memref<!tpu.dma_semaphore, #tpu.memory_space<semaphore_mem>>)
    %add3A_17 = arith.constant 1 : i32
    %add3A_18 = arith.addi %select_n3A, %add3A_17 : i32
    "tpu.region"() ({
      %run_scoped3A_58 = tpu.sem_alloc : memref<!tpu.dma_semaphore, #tpu.memory_space<semaphore_mem>>
      %dma_start3A_59 = arith.constant 0 : i32
      %dma_start3A_60 = arith.constant 0 : i32
      %dma_start3A_61 = tpu.memref_slice %arg3[%add3A_18, %dma_start3A_59, %dma_start3A_60] : memref<2530x2x128xi32, #tpu.memory_space<hbm>> -> memref<1x2x128xi32, #tpu.memory_space<hbm>>
      %dma_start3A_62 = tpu.memref_squeeze %dma_start3A_61 : memref<1x2x128xi32, #tpu.memory_space<hbm>> -> memref<2x128xi32, #tpu.memory_space<hbm>>
      %dma_start3A_63 = arith.constant 0 : i32
      %dma_start3A_64 = arith.constant 0 : i32
      %dma_start3A_65 = tpu.memref_slice %arg3[%add3A_18, %dma_start3A_63, %dma_start3A_64] : memref<2530x2x128xi32, #tpu.memory_space<hbm>> -> memref<1x2x128xi32, #tpu.memory_space<hbm>>
      %dma_start3A_66 = tpu.memref_squeeze %dma_start3A_65 : memref<1x2x128xi32, #tpu.memory_space<hbm>> -> memref<2x128xi32, #tpu.memory_space<hbm>>
      tpu.enqueue_dma source(%dma_start3A_66 : memref<2x128xi32, #tpu.memory_space<hbm>>) target(%arg7 : memref<2x128xi32, #tpu.memory_space<vmem>>) target_semaphore(%run_scoped3A_58 : memref<!tpu.dma_semaphore, #tpu.memory_space<semaphore_mem>>)
      %dma_wait3A_67 = arith.constant 0 : i32
      %dma_wait3A_68 = arith.constant 0 : i32
      %dma_wait3A_69 = tpu.memref_slice %arg3[%add3A_18, %dma_wait3A_67, %dma_wait3A_68] : memref<2530x2x128xi32, #tpu.memory_space<hbm>> -> memref<1x2x128xi32, #tpu.memory_space<hbm>>
      %dma_wait3A_70 = tpu.memref_squeeze %dma_wait3A_69 : memref<1x2x128xi32, #tpu.memory_space<hbm>> -> memref<2x128xi32, #tpu.memory_space<hbm>>
      %dma_wait3A_71 = arith.constant 0 : i32
      %dma_wait3A_72 = arith.constant 0 : i32
      %dma_wait3A_73 = tpu.memref_slice %arg3[%add3A_18, %dma_wait3A_71, %dma_wait3A_72] : memref<2530x2x128xi32, #tpu.memory_space<hbm>> -> memref<1x2x128xi32, #tpu.memory_space<hbm>>
      %dma_wait3A_74 = tpu.memref_squeeze %dma_wait3A_73 : memref<1x2x128xi32, #tpu.memory_space<hbm>> -> memref<2x128xi32, #tpu.memory_space<hbm>>
      tpu.wait_dma2 semaphore(%run_scoped3A_58 : memref<!tpu.dma_semaphore, #tpu.memory_space<semaphore_mem>>) src(%dma_wait3A_74 : memref<2x128xi32, #tpu.memory_space<hbm>>) dst(%arg7 : memref<2x128xi32, #tpu.memory_space<vmem>>)
      tpu.yield
    }) : () -> ()
    %sub3A = arith.constant 1 : i32
    %sub3A_19 = arith.subi %select_n3A_8, %sub3A : i32
    %jit3A_20 = arith.constant 2 : i32
    %div3A = arith.divsi %sub3A_19, %jit3A_20 : i32
    %sign3A = arith.constant 0 : i32
    %sign3A_21 = arith.cmpi sgt, %sub3A_19, %sign3A : i32
    %sign3A_22 = arith.extui %sign3A_21 : i1 to i32
    %sign3A_23 = arith.constant 0 : i32
    %sign3A_24 = arith.cmpi slt, %sub3A_19, %sign3A_23 : i32
    %sign3A_25 = arith.extui %sign3A_24 : i1 to i32
    %sign3A_26 = arith.subi %sign3A_22, %sign3A_25 : i32
    %sign3A_27 = arith.constant 0 : i32
    %sign3A_28 = arith.cmpi sgt, %jit3A_20, %sign3A_27 : i32
    %sign3A_29 = arith.extui %sign3A_28 : i1 to i32
    %sign3A_30 = arith.constant 0 : i32
    %sign3A_31 = arith.cmpi slt, %jit3A_20, %sign3A_30 : i32
    %sign3A_32 = arith.extui %sign3A_31 : i1 to i32
    %sign3A_33 = arith.subi %sign3A_29, %sign3A_32 : i32
    %ne3A = arith.cmpi ne, %sign3A_26, %sign3A_33 : i32
    %rem3A = arith.remsi %sub3A_19, %jit3A_20 : i32
    %ne3A_34 = arith.constant 0 : i32
    %ne3A_35 = arith.cmpi ne, %rem3A, %ne3A_34 : i32
    %and3A = arith.andi %ne3A, %ne3A_35 : i1
    %sub3A_36 = arith.constant 1 : i32
    %sub3A_37 = arith.subi %div3A, %sub3A_36 : i32
    %select_n3A_38 = arith.select %and3A, %sub3A_37, %div3A : i32
    %while3A = arith.constant 0 : i32
    %while3A_39 = arith.subi %select_n3A_38, %while3A : i32
    %while3A_40 = arith.addi %while3A, %while3A_39 : i32
    %while3A_41 = arith.constant 1 : i32
    %while3A_42 = arith.divsi %while3A_39, %while3A_41 : i32
    %while3A_43 = arith.muli %while3A_42, %while3A_41 : i32
    %while3A_44 = arith.addi %while3A, %while3A_43 : i32
    %while3A_45 = arith.constant 1 : i32
    scf.for %while3A_58 = %while3A to %while3A_44 step %while3A_45  : i32 {
      %mul3A_59 = arith.constant 2 : i32
      %mul3A_60 = arith.muli %mul3A_59, %while3A_58 : i32
      %add3A_61 = arith.addi %select_n3A, %mul3A_60 : i32
      %dma_start3A_62 = arith.constant 0 : i32
      %dma_start3A_63 = arith.constant 0 : i32
      %dma_start3A_64 = tpu.memref_slice %arg7[%dma_start3A_62, %dma_start3A_63] : memref<2x128xi32, #tpu.memory_space<vmem>> -> memref<1x128xi32, #tpu.memory_space<vmem>>
      %dma_start3A_65 = tpu.memref_squeeze %dma_start3A_64 : memref<1x128xi32, #tpu.memory_space<vmem>> -> memref<128xi32, #tpu.memory_space<vmem>>
      %dma_start3A_66 = arith.constant 0 : i32
      %dma_start3A_67 = arith.constant 0 : i32
      %dma_start3A_68 = tpu.memref_slice %arg2[%dma_start3A_66, %dma_start3A_67] : memref<10000x128xf32, #tpu.memory_space<hbm>> -> memref<10000x128xf32, #tpu.memory_space<hbm>>
      tpu.enqueue_indirect_dma source(%dma_start3A_68 : memref<10000x128xf32, #tpu.memory_space<hbm>>) target(%arg9 : memref<128x128xf32, #tpu.memory_space<vmem>>) offsets(%dma_start3A_65 : memref<128xi32, #tpu.memory_space<vmem>>) semaphore(%arg12 : memref<!tpu.dma_semaphore, #tpu.memory_space<semaphore_mem>>)
      %dma_wait3A_69 = arith.constant 0 : i32
      %dma_wait3A_70 = arith.constant 0 : i32
      %dma_wait3A_71 = tpu.memref_slice %arg6[%dma_wait3A_69, %dma_wait3A_70] : memref<2x128xi32, #tpu.memory_space<vmem>> -> memref<1x128xi32, #tpu.memory_space<vmem>>
      %dma_wait3A_72 = tpu.memref_squeeze %dma_wait3A_71 : memref<1x128xi32, #tpu.memory_space<vmem>> -> memref<128xi32, #tpu.memory_space<vmem>>
      %dma_wait3A_73 = arith.constant 0 : i32
      %dma_wait3A_74 = arith.constant 0 : i32
      %dma_wait3A_75 = tpu.memref_slice %arg2[%dma_wait3A_73, %dma_wait3A_74] : memref<10000x128xf32, #tpu.memory_space<hbm>> -> memref<10000x128xf32, #tpu.memory_space<hbm>>
      tpu.wait_indirect_dma semaphore(%arg11 : memref<!tpu.dma_semaphore, #tpu.memory_space<semaphore_mem>>) src(%dma_wait3A_75 : memref<10000x128xf32, #tpu.memory_space<hbm>>) dst(%arg8 : memref<128x128xf32, #tpu.memory_space<vmem>>)
      %run_scoped3A_76 = arith.constant 1 : i32
      "tpu.region"() ({
        %run_scoped3A_96 = tpu.sem_alloc : memref<!tpu.dma_semaphore, #tpu.memory_space<semaphore_mem>>
        %dma_start3A_97 = arith.constant 0 : i32
        %dma_start3A_98 = tpu.memref_slice %arg6[%run_scoped3A_76, %dma_start3A_97] : memref<2x128xi32, #tpu.memory_space<vmem>> -> memref<1x128xi32, #tpu.memory_space<vmem>>
        %dma_start3A_99 = tpu.memref_squeeze %dma_start3A_98 : memref<1x128xi32, #tpu.memory_space<vmem>> -> memref<128xi32, #tpu.memory_space<vmem>>
        %dma_start3A_100 = arith.constant 0 : i32
        %dma_start3A_101 = arith.constant 0 : i32
        %dma_start3A_102 = tpu.memref_slice %arg10[%dma_start3A_100, %dma_start3A_101] : memref<10112x128xf32, #tpu.memory_space<vmem_shared>> -> memref<10112x128xf32, #tpu.memory_space<vmem_shared>>
        tpu.enqueue_indirect_dma source(%arg8 : memref<128x128xf32, #tpu.memory_space<vmem>>) target(%dma_start3A_102 : memref<10112x128xf32, #tpu.memory_space<vmem_shared>>) offsets(%dma_start3A_99 : memref<128xi32, #tpu.memory_space<vmem>>) semaphore(%run_scoped3A_96 : memref<!tpu.dma_semaphore, #tpu.memory_space<semaphore_mem>>) {add = true}
        %dma_wait3A_103 = arith.constant 0 : i32
        %dma_wait3A_104 = tpu.memref_slice %arg6[%run_scoped3A_76, %dma_wait3A_103] : memref<2x128xi32, #tpu.memory_space<vmem>> -> memref<1x128xi32, #tpu.memory_space<vmem>>
        %dma_wait3A_105 = tpu.memref_squeeze %dma_wait3A_104 : memref<1x128xi32, #tpu.memory_space<vmem>> -> memref<128xi32, #tpu.memory_space<vmem>>
        %dma_wait3A_106 = arith.constant 0 : i32
        %dma_wait3A_107 = arith.constant 0 : i32
        %dma_wait3A_108 = tpu.memref_slice %arg10[%dma_wait3A_106, %dma_wait3A_107] : memref<10112x128xf32, #tpu.memory_space<vmem_shared>> -> memref<10112x128xf32, #tpu.memory_space<vmem_shared>>
        tpu.wait_indirect_dma semaphore(%run_scoped3A_96 : memref<!tpu.dma_semaphore, #tpu.memory_space<semaphore_mem>>) src(%arg8 : memref<128x128xf32, #tpu.memory_space<vmem>>) dst(%dma_wait3A_108 : memref<10112x128xf32, #tpu.memory_space<vmem_shared>>)
        tpu.yield
      }) : () -> ()
      %add3A_77 = arith.constant 2 : i32
      %add3A_78 = arith.addi %add3A_61, %add3A_77 : i32
      "tpu.region"() ({
        %run_scoped3A_96 = tpu.sem_alloc : memref<!tpu.dma_semaphore, #tpu.memory_space<semaphore_mem>>
        %dma_start3A_97 = arith.constant 0 : i32
        %dma_start3A_98 = arith.constant 0 : i32
        %dma_start3A_99 = tpu.memref_slice %arg3[%add3A_78, %dma_start3A_97, %dma_start3A_98] : memref<2530x2x128xi32, #tpu.memory_space<hbm>> -> memref<1x2x128xi32, #tpu.memory_space<hbm>>
        %dma_start3A_100 = tpu.memref_squeeze %dma_start3A_99 : memref<1x2x128xi32, #tpu.memory_space<hbm>> -> memref<2x128xi32, #tpu.memory_space<hbm>>
        %dma_start3A_101 = arith.constant 0 : i32
        %dma_start3A_102 = arith.constant 0 : i32
        %dma_start3A_103 = tpu.memref_slice %arg3[%add3A_78, %dma_start3A_101, %dma_start3A_102] : memref<2530x2x128xi32, #tpu.memory_space<hbm>> -> memref<1x2x128xi32, #tpu.memory_space<hbm>>
        %dma_start3A_104 = tpu.memref_squeeze %dma_start3A_103 : memref<1x2x128xi32, #tpu.memory_space<hbm>> -> memref<2x128xi32, #tpu.memory_space<hbm>>
        tpu.enqueue_dma source(%dma_start3A_104 : memref<2x128xi32, #tpu.memory_space<hbm>>) target(%arg6 : memref<2x128xi32, #tpu.memory_space<vmem>>) target_semaphore(%run_scoped3A_96 : memref<!tpu.dma_semaphore, #tpu.memory_space<semaphore_mem>>)
        %dma_wait3A_105 = arith.constant 0 : i32
        %dma_wait3A_106 = arith.constant 0 : i32
        %dma_wait3A_107 = tpu.memref_slice %arg3[%add3A_78, %dma_wait3A_105, %dma_wait3A_106] : memref<2530x2x128xi32, #tpu.memory_space<hbm>> -> memref<1x2x128xi32, #tpu.memory_space<hbm>>
        %dma_wait3A_108 = tpu.memref_squeeze %dma_wait3A_107 : memref<1x2x128xi32, #tpu.memory_space<hbm>> -> memref<2x128xi32, #tpu.memory_space<hbm>>
        %dma_wait3A_109 = arith.constant 0 : i32
        %dma_wait3A_110 = arith.constant 0 : i32
        %dma_wait3A_111 = tpu.memref_slice %arg3[%add3A_78, %dma_wait3A_109, %dma_wait3A_110] : memref<2530x2x128xi32, #tpu.memory_space<hbm>> -> memref<1x2x128xi32, #tpu.memory_space<hbm>>
        %dma_wait3A_112 = tpu.memref_squeeze %dma_wait3A_111 : memref<1x2x128xi32, #tpu.memory_space<hbm>> -> memref<2x128xi32, #tpu.memory_space<hbm>>
        tpu.wait_dma2 semaphore(%run_scoped3A_96 : memref<!tpu.dma_semaphore, #tpu.memory_space<semaphore_mem>>) src(%dma_wait3A_112 : memref<2x128xi32, #tpu.memory_space<hbm>>) dst(%arg6 : memref<2x128xi32, #tpu.memory_space<vmem>>)
        tpu.yield
      }) : () -> ()
      %dma_start3A_79 = arith.constant 0 : i32
      %dma_start3A_80 = arith.constant 0 : i32
      %dma_start3A_81 = tpu.memref_slice %arg6[%dma_start3A_79, %dma_start3A_80] : memref<2x128xi32, #tpu.memory_space<vmem>> -> memref<1x128xi32, #tpu.memory_space<vmem>>
      %dma_start3A_82 = tpu.memref_squeeze %dma_start3A_81 : memref<1x128xi32, #tpu.memory_space<vmem>> -> memref<128xi32, #tpu.memory_space<vmem>>
      %dma_start3A_83 = arith.constant 0 : i32
      %dma_start3A_84 = arith.constant 0 : i32
      %dma_start3A_85 = tpu.memref_slice %arg2[%dma_start3A_83, %dma_start3A_84] : memref<10000x128xf32, #tpu.memory_space<hbm>> -> memref<10000x128xf32, #tpu.memory_space<hbm>>
      tpu.enqueue_indirect_dma source(%dma_start3A_85 : memref<10000x128xf32, #tpu.memory_space<hbm>>) target(%arg8 : memref<128x128xf32, #tpu.memory_space<vmem>>) offsets(%dma_start3A_82 : memref<128xi32, #tpu.memory_space<vmem>>) semaphore(%arg11 : memref<!tpu.dma_semaphore, #tpu.memory_space<semaphore_mem>>)
      %dma_wait3A_86 = arith.constant 0 : i32
      %dma_wait3A_87 = arith.constant 0 : i32
      %dma_wait3A_88 = tpu.memref_slice %arg7[%dma_wait3A_86, %dma_wait3A_87] : memref<2x128xi32, #tpu.memory_space<vmem>> -> memref<1x128xi32, #tpu.memory_space<vmem>>
      %dma_wait3A_89 = tpu.memref_squeeze %dma_wait3A_88 : memref<1x128xi32, #tpu.memory_space<vmem>> -> memref<128xi32, #tpu.memory_space<vmem>>
      %dma_wait3A_90 = arith.constant 0 : i32
      %dma_wait3A_91 = arith.constant 0 : i32
      %dma_wait3A_92 = tpu.memref_slice %arg2[%dma_wait3A_90, %dma_wait3A_91] : memref<10000x128xf32, #tpu.memory_space<hbm>> -> memref<10000x128xf32, #tpu.memory_space<hbm>>
      tpu.wait_indirect_dma semaphore(%arg12 : memref<!tpu.dma_semaphore, #tpu.memory_space<semaphore_mem>>) src(%dma_wait3A_92 : memref<10000x128xf32, #tpu.memory_space<hbm>>) dst(%arg9 : memref<128x128xf32, #tpu.memory_space<vmem>>)
      %run_scoped3A_93 = arith.constant 1 : i32
      "tpu.region"() ({
        %run_scoped3A_96 = tpu.sem_alloc : memref<!tpu.dma_semaphore, #tpu.memory_space<semaphore_mem>>
        %dma_start3A_97 = arith.constant 0 : i32
        %dma_start3A_98 = tpu.memref_slice %arg7[%run_scoped3A_93, %dma_start3A_97] : memref<2x128xi32, #tpu.memory_space<vmem>> -> memref<1x128xi32, #tpu.memory_space<vmem>>
        %dma_start3A_99 = tpu.memref_squeeze %dma_start3A_98 : memref<1x128xi32, #tpu.memory_space<vmem>> -> memref<128xi32, #tpu.memory_space<vmem>>
        %dma_start3A_100 = arith.constant 0 : i32
        %dma_start3A_101 = arith.constant 0 : i32
        %dma_start3A_102 = tpu.memref_slice %arg10[%dma_start3A_100, %dma_start3A_101] : memref<10112x128xf32, #tpu.memory_space<vmem_shared>> -> memref<10112x128xf32, #tpu.memory_space<vmem_shared>>
        tpu.enqueue_indirect_dma source(%arg9 : memref<128x128xf32, #tpu.memory_space<vmem>>) target(%dma_start3A_102 : memref<10112x128xf32, #tpu.memory_space<vmem_shared>>) offsets(%dma_start3A_99 : memref<128xi32, #tpu.memory_space<vmem>>) semaphore(%run_scoped3A_96 : memref<!tpu.dma_semaphore, #tpu.memory_space<semaphore_mem>>) {add = true}
        %dma_wait3A_103 = arith.constant 0 : i32
        %dma_wait3A_104 = tpu.memref_slice %arg7[%run_scoped3A_93, %dma_wait3A_103] : memref<2x128xi32, #tpu.memory_space<vmem>> -> memref<1x128xi32, #tpu.memory_space<vmem>>
        %dma_wait3A_105 = tpu.memref_squeeze %dma_wait3A_104 : memref<1x128xi32, #tpu.memory_space<vmem>> -> memref<128xi32, #tpu.memory_space<vmem>>
        %dma_wait3A_106 = arith.constant 0 : i32
        %dma_wait3A_107 = arith.constant 0 : i32
        %dma_wait3A_108 = tpu.memref_slice %arg10[%dma_wait3A_106, %dma_wait3A_107] : memref<10112x128xf32, #tpu.memory_space<vmem_shared>> -> memref<10112x128xf32, #tpu.memory_space<vmem_shared>>
        tpu.wait_indirect_dma semaphore(%run_scoped3A_96 : memref<!tpu.dma_semaphore, #tpu.memory_space<semaphore_mem>>) src(%arg9 : memref<128x128xf32, #tpu.memory_space<vmem>>) dst(%dma_wait3A_108 : memref<10112x128xf32, #tpu.memory_space<vmem_shared>>)
        tpu.yield
      }) : () -> ()
      %add3A_94 = arith.constant 3 : i32
      %add3A_95 = arith.addi %add3A_61, %add3A_94 : i32
      "tpu.region"() ({
        %run_scoped3A_96 = tpu.sem_alloc : memref<!tpu.dma_semaphore, #tpu.memory_space<semaphore_mem>>
        %dma_start3A_97 = arith.constant 0 : i32
        %dma_start3A_98 = arith.constant 0 : i32
        %dma_start3A_99 = tpu.memref_slice %arg3[%add3A_95, %dma_start3A_97, %dma_start3A_98] : memref<2530x2x128xi32, #tpu.memory_space<hbm>> -> memref<1x2x128xi32, #tpu.memory_space<hbm>>
        %dma_start3A_100 = tpu.memref_squeeze %dma_start3A_99 : memref<1x2x128xi32, #tpu.memory_space<hbm>> -> memref<2x128xi32, #tpu.memory_space<hbm>>
        %dma_start3A_101 = arith.constant 0 : i32
        %dma_start3A_102 = arith.constant 0 : i32
        %dma_start3A_103 = tpu.memref_slice %arg3[%add3A_95, %dma_start3A_101, %dma_start3A_102] : memref<2530x2x128xi32, #tpu.memory_space<hbm>> -> memref<1x2x128xi32, #tpu.memory_space<hbm>>
        %dma_start3A_104 = tpu.memref_squeeze %dma_start3A_103 : memref<1x2x128xi32, #tpu.memory_space<hbm>> -> memref<2x128xi32, #tpu.memory_space<hbm>>
        tpu.enqueue_dma source(%dma_start3A_104 : memref<2x128xi32, #tpu.memory_space<hbm>>) target(%arg7 : memref<2x128xi32, #tpu.memory_space<vmem>>) target_semaphore(%run_scoped3A_96 : memref<!tpu.dma_semaphore, #tpu.memory_space<semaphore_mem>>)
        %dma_wait3A_105 = arith.constant 0 : i32
        %dma_wait3A_106 = arith.constant 0 : i32
        %dma_wait3A_107 = tpu.memref_slice %arg3[%add3A_95, %dma_wait3A_105, %dma_wait3A_106] : memref<2530x2x128xi32, #tpu.memory_space<hbm>> -> memref<1x2x128xi32, #tpu.memory_space<hbm>>
        %dma_wait3A_108 = tpu.memref_squeeze %dma_wait3A_107 : memref<1x2x128xi32, #tpu.memory_space<hbm>> -> memref<2x128xi32, #tpu.memory_space<hbm>>
        %dma_wait3A_109 = arith.constant 0 : i32
        %dma_wait3A_110 = arith.constant 0 : i32
        %dma_wait3A_111 = tpu.memref_slice %arg3[%add3A_95, %dma_wait3A_109, %dma_wait3A_110] : memref<2530x2x128xi32, #tpu.memory_space<hbm>> -> memref<1x2x128xi32, #tpu.memory_space<hbm>>
        %dma_wait3A_112 = tpu.memref_squeeze %dma_wait3A_111 : memref<1x2x128xi32, #tpu.memory_space<hbm>> -> memref<2x128xi32, #tpu.memory_space<hbm>>
        tpu.wait_dma2 semaphore(%run_scoped3A_96 : memref<!tpu.dma_semaphore, #tpu.memory_space<semaphore_mem>>) src(%dma_wait3A_112 : memref<2x128xi32, #tpu.memory_space<hbm>>) dst(%arg7 : memref<2x128xi32, #tpu.memory_space<vmem>>)
        tpu.yield
      }) : () -> ()
    }
    %while3A_46 = arith.constant 1 : i32
    scf.for %while3A_58 = %while3A_44 to %while3A_40 step %while3A_46  : i32 {
      %mul3A_59 = arith.constant 2 : i32
      %mul3A_60 = arith.muli %mul3A_59, %while3A_58 : i32
      %add3A_61 = arith.addi %select_n3A, %mul3A_60 : i32
      %dma_start3A_62 = arith.constant 0 : i32
      %dma_start3A_63 = arith.constant 0 : i32
      %dma_start3A_64 = tpu.memref_slice %arg7[%dma_start3A_62, %dma_start3A_63] : memref<2x128xi32, #tpu.memory_space<vmem>> -> memref<1x128xi32, #tpu.memory_space<vmem>>
      %dma_start3A_65 = tpu.memref_squeeze %dma_start3A_64 : memref<1x128xi32, #tpu.memory_space<vmem>> -> memref<128xi32, #tpu.memory_space<vmem>>
      %dma_start3A_66 = arith.constant 0 : i32
      %dma_start3A_67 = arith.constant 0 : i32
      %dma_start3A_68 = tpu.memref_slice %arg2[%dma_start3A_66, %dma_start3A_67] : memref<10000x128xf32, #tpu.memory_space<hbm>> -> memref<10000x128xf32, #tpu.memory_space<hbm>>
      tpu.enqueue_indirect_dma source(%dma_start3A_68 : memref<10000x128xf32, #tpu.memory_space<hbm>>) target(%arg9 : memref<128x128xf32, #tpu.memory_space<vmem>>) offsets(%dma_start3A_65 : memref<128xi32, #tpu.memory_space<vmem>>) semaphore(%arg12 : memref<!tpu.dma_semaphore, #tpu.memory_space<semaphore_mem>>)
      %dma_wait3A_69 = arith.constant 0 : i32
      %dma_wait3A_70 = arith.constant 0 : i32
      %dma_wait3A_71 = tpu.memref_slice %arg6[%dma_wait3A_69, %dma_wait3A_70] : memref<2x128xi32, #tpu.memory_space<vmem>> -> memref<1x128xi32, #tpu.memory_space<vmem>>
      %dma_wait3A_72 = tpu.memref_squeeze %dma_wait3A_71 : memref<1x128xi32, #tpu.memory_space<vmem>> -> memref<128xi32, #tpu.memory_space<vmem>>
      %dma_wait3A_73 = arith.constant 0 : i32
      %dma_wait3A_74 = arith.constant 0 : i32
      %dma_wait3A_75 = tpu.memref_slice %arg2[%dma_wait3A_73, %dma_wait3A_74] : memref<10000x128xf32, #tpu.memory_space<hbm>> -> memref<10000x128xf32, #tpu.memory_space<hbm>>
      tpu.wait_indirect_dma semaphore(%arg11 : memref<!tpu.dma_semaphore, #tpu.memory_space<semaphore_mem>>) src(%dma_wait3A_75 : memref<10000x128xf32, #tpu.memory_space<hbm>>) dst(%arg8 : memref<128x128xf32, #tpu.memory_space<vmem>>)
      %run_scoped3A_76 = arith.constant 1 : i32
      "tpu.region"() ({
        %run_scoped3A_96 = tpu.sem_alloc : memref<!tpu.dma_semaphore, #tpu.memory_space<semaphore_mem>>
        %dma_start3A_97 = arith.constant 0 : i32
        %dma_start3A_98 = tpu.memref_slice %arg6[%run_scoped3A_76, %dma_start3A_97] : memref<2x128xi32, #tpu.memory_space<vmem>> -> memref<1x128xi32, #tpu.memory_space<vmem>>
        %dma_start3A_99 = tpu.memref_squeeze %dma_start3A_98 : memref<1x128xi32, #tpu.memory_space<vmem>> -> memref<128xi32, #tpu.memory_space<vmem>>
        %dma_start3A_100 = arith.constant 0 : i32
        %dma_start3A_101 = arith.constant 0 : i32
        %dma_start3A_102 = tpu.memref_slice %arg10[%dma_start3A_100, %dma_start3A_101] : memref<10112x128xf32, #tpu.memory_space<vmem_shared>> -> memref<10112x128xf32, #tpu.memory_space<vmem_shared>>
        tpu.enqueue_indirect_dma source(%arg8 : memref<128x128xf32, #tpu.memory_space<vmem>>) target(%dma_start3A_102 : memref<10112x128xf32, #tpu.memory_space<vmem_shared>>) offsets(%dma_start3A_99 : memref<128xi32, #tpu.memory_space<vmem>>) semaphore(%run_scoped3A_96 : memref<!tpu.dma_semaphore, #tpu.memory_space<semaphore_mem>>) {add = true}
        %dma_wait3A_103 = arith.constant 0 : i32
        %dma_wait3A_104 = tpu.memref_slice %arg6[%run_scoped3A_76, %dma_wait3A_103] : memref<2x128xi32, #tpu.memory_space<vmem>> -> memref<1x128xi32, #tpu.memory_space<vmem>>
        %dma_wait3A_105 = tpu.memref_squeeze %dma_wait3A_104 : memref<1x128xi32, #tpu.memory_space<vmem>> -> memref<128xi32, #tpu.memory_space<vmem>>
        %dma_wait3A_106 = arith.constant 0 : i32
        %dma_wait3A_107 = arith.constant 0 : i32
        %dma_wait3A_108 = tpu.memref_slice %arg10[%dma_wait3A_106, %dma_wait3A_107] : memref<10112x128xf32, #tpu.memory_space<vmem_shared>> -> memref<10112x128xf32, #tpu.memory_space<vmem_shared>>
        tpu.wait_indirect_dma semaphore(%run_scoped3A_96 : memref<!tpu.dma_semaphore, #tpu.memory_space<semaphore_mem>>) src(%arg8 : memref<128x128xf32, #tpu.memory_space<vmem>>) dst(%dma_wait3A_108 : memref<10112x128xf32, #tpu.memory_space<vmem_shared>>)
        tpu.yield
      }) : () -> ()
      %add3A_77 = arith.constant 2 : i32
      %add3A_78 = arith.addi %add3A_61, %add3A_77 : i32
      "tpu.region"() ({
        %run_scoped3A_96 = tpu.sem_alloc : memref<!tpu.dma_semaphore, #tpu.memory_space<semaphore_mem>>
        %dma_start3A_97 = arith.constant 0 : i32
        %dma_start3A_98 = arith.constant 0 : i32
        %dma_start3A_99 = tpu.memref_slice %arg3[%add3A_78, %dma_start3A_97, %dma_start3A_98] : memref<2530x2x128xi32, #tpu.memory_space<hbm>> -> memref<1x2x128xi32, #tpu.memory_space<hbm>>
        %dma_start3A_100 = tpu.memref_squeeze %dma_start3A_99 : memref<1x2x128xi32, #tpu.memory_space<hbm>> -> memref<2x128xi32, #tpu.memory_space<hbm>>
        %dma_start3A_101 = arith.constant 0 : i32
        %dma_start3A_102 = arith.constant 0 : i32
        %dma_start3A_103 = tpu.memref_slice %arg3[%add3A_78, %dma_start3A_101, %dma_start3A_102] : memref<2530x2x128xi32, #tpu.memory_space<hbm>> -> memref<1x2x128xi32, #tpu.memory_space<hbm>>
        %dma_start3A_104 = tpu.memref_squeeze %dma_start3A_103 : memref<1x2x128xi32, #tpu.memory_space<hbm>> -> memref<2x128xi32, #tpu.memory_space<hbm>>
        tpu.enqueue_dma source(%dma_start3A_104 : memref<2x128xi32, #tpu.memory_space<hbm>>) target(%arg6 : memref<2x128xi32, #tpu.memory_space<vmem>>) target_semaphore(%run_scoped3A_96 : memref<!tpu.dma_semaphore, #tpu.memory_space<semaphore_mem>>)
        %dma_wait3A_105 = arith.constant 0 : i32
        %dma_wait3A_106 = arith.constant 0 : i32
        %dma_wait3A_107 = tpu.memref_slice %arg3[%add3A_78, %dma_wait3A_105, %dma_wait3A_106] : memref<2530x2x128xi32, #tpu.memory_space<hbm>> -> memref<1x2x128xi32, #tpu.memory_space<hbm>>
        %dma_wait3A_108 = tpu.memref_squeeze %dma_wait3A_107 : memref<1x2x128xi32, #tpu.memory_space<hbm>> -> memref<2x128xi32, #tpu.memory_space<hbm>>
        %dma_wait3A_109 = arith.constant 0 : i32
        %dma_wait3A_110 = arith.constant 0 : i32
        %dma_wait3A_111 = tpu.memref_slice %arg3[%add3A_78, %dma_wait3A_109, %dma_wait3A_110] : memref<2530x2x128xi32, #tpu.memory_space<hbm>> -> memref<1x2x128xi32, #tpu.memory_space<hbm>>
        %dma_wait3A_112 = tpu.memref_squeeze %dma_wait3A_111 : memref<1x2x128xi32, #tpu.memory_space<hbm>> -> memref<2x128xi32, #tpu.memory_space<hbm>>
        tpu.wait_dma2 semaphore(%run_scoped3A_96 : memref<!tpu.dma_semaphore, #tpu.memory_space<semaphore_mem>>) src(%dma_wait3A_112 : memref<2x128xi32, #tpu.memory_space<hbm>>) dst(%arg6 : memref<2x128xi32, #tpu.memory_space<vmem>>)
        tpu.yield
      }) : () -> ()
      %dma_start3A_79 = arith.constant 0 : i32
      %dma_start3A_80 = arith.constant 0 : i32
      %dma_start3A_81 = tpu.memref_slice %arg6[%dma_start3A_79, %dma_start3A_80] : memref<2x128xi32, #tpu.memory_space<vmem>> -> memref<1x128xi32, #tpu.memory_space<vmem>>
      %dma_start3A_82 = tpu.memref_squeeze %dma_start3A_81 : memref<1x128xi32, #tpu.memory_space<vmem>> -> memref<128xi32, #tpu.memory_space<vmem>>
      %dma_start3A_83 = arith.constant 0 : i32
      %dma_start3A_84 = arith.constant 0 : i32
      %dma_start3A_85 = tpu.memref_slice %arg2[%dma_start3A_83, %dma_start3A_84] : memref<10000x128xf32, #tpu.memory_space<hbm>> -> memref<10000x128xf32, #tpu.memory_space<hbm>>
      tpu.enqueue_indirect_dma source(%dma_start3A_85 : memref<10000x128xf32, #tpu.memory_space<hbm>>) target(%arg8 : memref<128x128xf32, #tpu.memory_space<vmem>>) offsets(%dma_start3A_82 : memref<128xi32, #tpu.memory_space<vmem>>) semaphore(%arg11 : memref<!tpu.dma_semaphore, #tpu.memory_space<semaphore_mem>>)
      %dma_wait3A_86 = arith.constant 0 : i32
      %dma_wait3A_87 = arith.constant 0 : i32
      %dma_wait3A_88 = tpu.memref_slice %arg7[%dma_wait3A_86, %dma_wait3A_87] : memref<2x128xi32, #tpu.memory_space<vmem>> -> memref<1x128xi32, #tpu.memory_space<vmem>>
      %dma_wait3A_89 = tpu.memref_squeeze %dma_wait3A_88 : memref<1x128xi32, #tpu.memory_space<vmem>> -> memref<128xi32, #tpu.memory_space<vmem>>
      %dma_wait3A_90 = arith.constant 0 : i32
      %dma_wait3A_91 = arith.constant 0 : i32
      %dma_wait3A_92 = tpu.memref_slice %arg2[%dma_wait3A_90, %dma_wait3A_91] : memref<10000x128xf32, #tpu.memory_space<hbm>> -> memref<10000x128xf32, #tpu.memory_space<hbm>>
      tpu.wait_indirect_dma semaphore(%arg12 : memref<!tpu.dma_semaphore, #tpu.memory_space<semaphore_mem>>) src(%dma_wait3A_92 : memref<10000x128xf32, #tpu.memory_space<hbm>>) dst(%arg9 : memref<128x128xf32, #tpu.memory_space<vmem>>)
      %run_scoped3A_93 = arith.constant 1 : i32
      "tpu.region"() ({
        %run_scoped3A_96 = tpu.sem_alloc : memref<!tpu.dma_semaphore, #tpu.memory_space<semaphore_mem>>
        %dma_start3A_97 = arith.constant 0 : i32
        %dma_start3A_98 = tpu.memref_slice %arg7[%run_scoped3A_93, %dma_start3A_97] : memref<2x128xi32, #tpu.memory_space<vmem>> -> memref<1x128xi32, #tpu.memory_space<vmem>>
        %dma_start3A_99 = tpu.memref_squeeze %dma_start3A_98 : memref<1x128xi32, #tpu.memory_space<vmem>> -> memref<128xi32, #tpu.memory_space<vmem>>
        %dma_start3A_100 = arith.constant 0 : i32
        %dma_start3A_101 = arith.constant 0 : i32
        %dma_start3A_102 = tpu.memref_slice %arg10[%dma_start3A_100, %dma_start3A_101] : memref<10112x128xf32, #tpu.memory_space<vmem_shared>> -> memref<10112x128xf32, #tpu.memory_space<vmem_shared>>
        tpu.enqueue_indirect_dma source(%arg9 : memref<128x128xf32, #tpu.memory_space<vmem>>) target(%dma_start3A_102 : memref<10112x128xf32, #tpu.memory_space<vmem_shared>>) offsets(%dma_start3A_99 : memref<128xi32, #tpu.memory_space<vmem>>) semaphore(%run_scoped3A_96 : memref<!tpu.dma_semaphore, #tpu.memory_space<semaphore_mem>>) {add = true}
        %dma_wait3A_103 = arith.constant 0 : i32
        %dma_wait3A_104 = tpu.memref_slice %arg7[%run_scoped3A_93, %dma_wait3A_103] : memref<2x128xi32, #tpu.memory_space<vmem>> -> memref<1x128xi32, #tpu.memory_space<vmem>>
        %dma_wait3A_105 = tpu.memref_squeeze %dma_wait3A_104 : memref<1x128xi32, #tpu.memory_space<vmem>> -> memref<128xi32, #tpu.memory_space<vmem>>
        %dma_wait3A_106 = arith.constant 0 : i32
        %dma_wait3A_107 = arith.constant 0 : i32
        %dma_wait3A_108 = tpu.memref_slice %arg10[%dma_wait3A_106, %dma_wait3A_107] : memref<10112x128xf32, #tpu.memory_space<vmem_shared>> -> memref<10112x128xf32, #tpu.memory_space<vmem_shared>>
        tpu.wait_indirect_dma semaphore(%run_scoped3A_96 : memref<!tpu.dma_semaphore, #tpu.memory_space<semaphore_mem>>) src(%arg9 : memref<128x128xf32, #tpu.memory_space<vmem>>) dst(%dma_wait3A_108 : memref<10112x128xf32, #tpu.memory_space<vmem_shared>>)
        tpu.yield
      }) : () -> ()
      %add3A_94 = arith.constant 3 : i32
      %add3A_95 = arith.addi %add3A_61, %add3A_94 : i32
      "tpu.region"() ({
        %run_scoped3A_96 = tpu.sem_alloc : memref<!tpu.dma_semaphore, #tpu.memory_space<semaphore_mem>>
        %dma_start3A_97 = arith.constant 0 : i32
        %dma_start3A_98 = arith.constant 0 : i32
        %dma_start3A_99 = tpu.memref_slice %arg3[%add3A_95, %dma_start3A_97, %dma_start3A_98] : memref<2530x2x128xi32, #tpu.memory_space<hbm>> -> memref<1x2x128xi32, #tpu.memory_space<hbm>>
        %dma_start3A_100 = tpu.memref_squeeze %dma_start3A_99 : memref<1x2x128xi32, #tpu.memory_space<hbm>> -> memref<2x128xi32, #tpu.memory_space<hbm>>
        %dma_start3A_101 = arith.constant 0 : i32
        %dma_start3A_102 = arith.constant 0 : i32
        %dma_start3A_103 = tpu.memref_slice %arg3[%add3A_95, %dma_start3A_101, %dma_start3A_102] : memref<2530x2x128xi32, #tpu.memory_space<hbm>> -> memref<1x2x128xi32, #tpu.memory_space<hbm>>
        %dma_start3A_104 = tpu.memref_squeeze %dma_start3A_103 : memref<1x2x128xi32, #tpu.memory_space<hbm>> -> memref<2x128xi32, #tpu.memory_space<hbm>>
        tpu.enqueue_dma source(%dma_start3A_104 : memref<2x128xi32, #tpu.memory_space<hbm>>) target(%arg7 : memref<2x128xi32, #tpu.memory_space<vmem>>) target_semaphore(%run_scoped3A_96 : memref<!tpu.dma_semaphore, #tpu.memory_space<semaphore_mem>>)
        %dma_wait3A_105 = arith.constant 0 : i32
        %dma_wait3A_106 = arith.constant 0 : i32
        %dma_wait3A_107 = tpu.memref_slice %arg3[%add3A_95, %dma_wait3A_105, %dma_wait3A_106] : memref<2530x2x128xi32, #tpu.memory_space<hbm>> -> memref<1x2x128xi32, #tpu.memory_space<hbm>>
        %dma_wait3A_108 = tpu.memref_squeeze %dma_wait3A_107 : memref<1x2x128xi32, #tpu.memory_space<hbm>> -> memref<2x128xi32, #tpu.memory_space<hbm>>
        %dma_wait3A_109 = arith.constant 0 : i32
        %dma_wait3A_110 = arith.constant 0 : i32
        %dma_wait3A_111 = tpu.memref_slice %arg3[%add3A_95, %dma_wait3A_109, %dma_wait3A_110] : memref<2530x2x128xi32, #tpu.memory_space<hbm>> -> memref<1x2x128xi32, #tpu.memory_space<hbm>>
        %dma_wait3A_112 = tpu.memref_squeeze %dma_wait3A_111 : memref<1x2x128xi32, #tpu.memory_space<hbm>> -> memref<2x128xi32, #tpu.memory_space<hbm>>
        tpu.wait_dma2 semaphore(%run_scoped3A_96 : memref<!tpu.dma_semaphore, #tpu.memory_space<semaphore_mem>>) src(%dma_wait3A_112 : memref<2x128xi32, #tpu.memory_space<hbm>>) dst(%arg7 : memref<2x128xi32, #tpu.memory_space<vmem>>)
        tpu.yield
      }) : () -> ()
    }
    %dma_wait3A = arith.constant 0 : i32
    %dma_wait3A_47 = arith.constant 0 : i32
    %dma_wait3A_48 = tpu.memref_slice %arg6[%dma_wait3A, %dma_wait3A_47] : memref<2x128xi32, #tpu.memory_space<vmem>> -> memref<1x128xi32, #tpu.memory_space<vmem>>
    %dma_wait3A_49 = tpu.memref_squeeze %dma_wait3A_48 : memref<1x128xi32, #tpu.memory_space<vmem>> -> memref<128xi32, #tpu.memory_space<vmem>>
    %dma_wait3A_50 = arith.constant 0 : i32
    %dma_wait3A_51 = arith.constant 0 : i32
    %dma_wait3A_52 = tpu.memref_slice %arg2[%dma_wait3A_50, %dma_wait3A_51] : memref<10000x128xf32, #tpu.memory_space<hbm>> -> memref<10000x128xf32, #tpu.memory_space<hbm>>
    tpu.wait_indirect_dma semaphore(%arg11 : memref<!tpu.dma_semaphore, #tpu.memory_space<semaphore_mem>>) src(%dma_wait3A_52 : memref<10000x128xf32, #tpu.memory_space<hbm>>) dst(%arg8 : memref<128x128xf32, #tpu.memory_space<vmem>>)
    %run_scoped3A = arith.constant 1 : i32
    "tpu.region"() ({
      %run_scoped3A_58 = tpu.sem_alloc : memref<!tpu.dma_semaphore, #tpu.memory_space<semaphore_mem>>
      %dma_start3A_59 = arith.constant 0 : i32
      %dma_start3A_60 = tpu.memref_slice %arg6[%run_scoped3A, %dma_start3A_59] : memref<2x128xi32, #tpu.memory_space<vmem>> -> memref<1x128xi32, #tpu.memory_space<vmem>>
      %dma_start3A_61 = tpu.memref_squeeze %dma_start3A_60 : memref<1x128xi32, #tpu.memory_space<vmem>> -> memref<128xi32, #tpu.memory_space<vmem>>
      %dma_start3A_62 = arith.constant 0 : i32
      %dma_start3A_63 = arith.constant 0 : i32
      %dma_start3A_64 = tpu.memref_slice %arg10[%dma_start3A_62, %dma_start3A_63] : memref<10112x128xf32, #tpu.memory_space<vmem_shared>> -> memref<10112x128xf32, #tpu.memory_space<vmem_shared>>
      tpu.enqueue_indirect_dma source(%arg8 : memref<128x128xf32, #tpu.memory_space<vmem>>) target(%dma_start3A_64 : memref<10112x128xf32, #tpu.memory_space<vmem_shared>>) offsets(%dma_start3A_61 : memref<128xi32, #tpu.memory_space<vmem>>) semaphore(%run_scoped3A_58 : memref<!tpu.dma_semaphore, #tpu.memory_space<semaphore_mem>>) {add = true}
      %dma_wait3A_65 = arith.constant 0 : i32
      %dma_wait3A_66 = tpu.memref_slice %arg6[%run_scoped3A, %dma_wait3A_65] : memref<2x128xi32, #tpu.memory_space<vmem>> -> memref<1x128xi32, #tpu.memory_space<vmem>>
      %dma_wait3A_67 = tpu.memref_squeeze %dma_wait3A_66 : memref<1x128xi32, #tpu.memory_space<vmem>> -> memref<128xi32, #tpu.memory_space<vmem>>
      %dma_wait3A_68 = arith.constant 0 : i32
      %dma_wait3A_69 = arith.constant 0 : i32
      %dma_wait3A_70 = tpu.memref_slice %arg10[%dma_wait3A_68, %dma_wait3A_69] : memref<10112x128xf32, #tpu.memory_space<vmem_shared>> -> memref<10112x128xf32, #tpu.memory_space<vmem_shared>>
      tpu.wait_indirect_dma semaphore(%run_scoped3A_58 : memref<!tpu.dma_semaphore, #tpu.memory_space<semaphore_mem>>) src(%arg8 : memref<128x128xf32, #tpu.memory_space<vmem>>) dst(%dma_wait3A_70 : memref<10112x128xf32, #tpu.memory_space<vmem_shared>>)
      tpu.yield
    }) : () -> ()
    %barrier3A_53 = arith.constant 0 : index
    tpu.barrier barrier_id(%barrier3A_53)
    %mul3A_54 = arith.constant 632 : i32
    %mul3A_55 = arith.muli %arg1, %mul3A_54 : i32
    %mul3A_56 = arith.constant 632 : i32
    %mul3A_57 = arith.muli %arg1, %mul3A_56 : i32
    "tpu.region"() ({
      %run_scoped3A_58 = tpu.sem_alloc : memref<!tpu.dma_semaphore, #tpu.memory_space<semaphore_mem>>
      %dma_start3A_59 = arith.constant 0 : i32
      %dma_start3A_60 = arith.constant 0 : i32
      %dma_start3A_61 = tpu.memref_slice %arg5[%arg0, %dma_start3A_59, %dma_start3A_60] : memref<2x10112x128xf32, #tpu.memory_space<hbm>> -> memref<1x10112x128xf32, #tpu.memory_space<hbm>>
      %dma_start3A_62 = tpu.memref_squeeze %dma_start3A_61 : memref<1x10112x128xf32, #tpu.memory_space<hbm>> -> memref<10112x128xf32, #tpu.memory_space<hbm>>
      %dma_start3A_63 = arith.constant 0 : i32
      %dma_start3A_64 = tpu.memref_slice %dma_start3A_62[%mul3A_57, %dma_start3A_63] : memref<10112x128xf32, #tpu.memory_space<hbm>> -> memref<632x128xf32, #tpu.memory_space<hbm>>
      %dma_start3A_65 = arith.constant 0 : i32
      %dma_start3A_66 = tpu.memref_slice %arg10[%mul3A_55, %dma_start3A_65] : memref<10112x128xf32, #tpu.memory_space<vmem_shared>> -> memref<632x128xf32, #tpu.memory_space<vmem_shared>>
      tpu.enqueue_dma source(%dma_start3A_66 : memref<632x128xf32, #tpu.memory_space<vmem_shared>>) target(%dma_start3A_64 : memref<632x128xf32, #tpu.memory_space<hbm>>) target_semaphore(%run_scoped3A_58 : memref<!tpu.dma_semaphore, #tpu.memory_space<semaphore_mem>>)
      %dma_wait3A_67 = arith.constant 0 : i32
      %dma_wait3A_68 = arith.constant 0 : i32
      %dma_wait3A_69 = tpu.memref_slice %arg5[%arg0, %dma_wait3A_67, %dma_wait3A_68] : memref<2x10112x128xf32, #tpu.memory_space<hbm>> -> memref<1x10112x128xf32, #tpu.memory_space<hbm>>
      %dma_wait3A_70 = tpu.memref_squeeze %dma_wait3A_69 : memref<1x10112x128xf32, #tpu.memory_space<hbm>> -> memref<10112x128xf32, #tpu.memory_space<hbm>>
      %dma_wait3A_71 = arith.constant 0 : i32
      %dma_wait3A_72 = tpu.memref_slice %dma_wait3A_70[%mul3A_57, %dma_wait3A_71] : memref<10112x128xf32, #tpu.memory_space<hbm>> -> memref<632x128xf32, #tpu.memory_space<hbm>>
      %dma_wait3A_73 = arith.constant 0 : i32
      %dma_wait3A_74 = tpu.memref_slice %arg10[%mul3A_55, %dma_wait3A_73] : memref<10112x128xf32, #tpu.memory_space<vmem_shared>> -> memref<632x128xf32, #tpu.memory_space<vmem_shared>>
      tpu.wait_dma2 semaphore(%run_scoped3A_58 : memref<!tpu.dma_semaphore, #tpu.memory_space<semaphore_mem>>) src(%dma_wait3A_74 : memref<632x128xf32, #tpu.memory_space<vmem_shared>>) dst(%dma_wait3A_72 : memref<632x128xf32, #tpu.memory_space<hbm>>)
      tpu.yield
    }) : () -> ()
    return
  }
}

#map = affine_map<(d0, d1) -> (0, 0)>
#map1 = affine_map<(d0, d1) -> (0, 0, 0)>
module attributes {stable_mosaic.version = 14 : i64} {
  func.func @_sc_agg_body(%arg0: i32, %arg1: i32, %arg2: memref<10000x128xf32, #tpu.memory_space<hbm>>, %arg3: memref<2530x2x128xi32, #tpu.memory_space<hbm>>, %arg4: memref<632x128xf32, #tpu.memory_space<hbm>>, %arg5: memref<2x10112x128xf32, #tpu.memory_space<hbm>>, %arg6: memref<2x128xi32, #tpu.memory_space<vmem>>, %arg7: memref<2x128xi32, #tpu.memory_space<vmem>>, %arg8: memref<128x128xf32, #tpu.memory_space<vmem>>, %arg9: memref<128x128xf32, #tpu.memory_space<vmem>>, %arg10: memref<10112x128xf32, #tpu.memory_space<vmem_shared>>, %arg11: memref<!tpu.dma_semaphore, #tpu.memory_space<semaphore_mem>>, %arg12: memref<!tpu.dma_semaphore, #tpu.memory_space<semaphore_mem>>) attributes {dimension_semantics = [#tpu.dimension_semantics<core_parallel>, #tpu.dimension_semantics<subcore_parallel>], iteration_bounds = array<i64: 2, 16>, scalar_prefetch = 0 : i64, scratch_operands = 7 : i64, tpu.core_type = #tpu.core_type<sc_vector_subcore>, window_params = [{transform_indices = #map}, {transform_indices = #map1}, {transform_indices = #map}, {transform_indices = #map1}]} {
    %eq3A = arith.constant 0 : i32
    %eq3A_0 = arith.cmpi eq, %arg0, %eq3A : i32
    %mul3A = arith.constant 135 : i32
    %mul3A_1 = arith.muli %arg1, %mul3A : i32
    %mul3A_2 = arith.constant 23 : i32
    %mul3A_3 = arith.muli %arg1, %mul3A_2 : i32
    %add3A = arith.constant 2160 : i32
    %add3A_4 = arith.addi %add3A, %mul3A_3 : i32
    %select_n3A = arith.select %eq3A_0, %mul3A_1, %add3A_4 : i32
    %eq3A_5 = arith.constant 0 : i32
    %eq3A_6 = arith.cmpi eq, %arg0, %eq3A_5 : i32
    %jit3A = arith.constant 135 : i32
    %jit3A_7 = arith.constant 23 : i32
    %select_n3A_8 = arith.select %eq3A_6, %jit3A, %jit3A_7 : i32
    %mul3A_9 = arith.constant 632 : i32
    %mul3A_10 = arith.muli %arg1, %mul3A_9 : i32
    "tpu.region"() ({
      %run_scoped3A_58 = tpu.sem_alloc : memref<!tpu.dma_semaphore, #tpu.memory_space<semaphore_mem>>
      %dma_start3A_59 = arith.constant 0 : i32
      %dma_start3A_60 = tpu.memref_slice %arg10[%mul3A_10, %dma_start3A_59] : memref<10112x128xf32, #tpu.memory_space<vmem_shared>> -> memref<632x128xf32, #tpu.memory_space<vmem_shared>>
      tpu.enqueue_dma source(%arg4 : memref<632x128xf32, #tpu.memory_space<hbm>>) target(%dma_start3A_60 : memref<632x128xf32, #tpu.memory_space<vmem_shared>>) target_semaphore(%run_scoped3A_58 : memref<!tpu.dma_semaphore, #tpu.memory_space<semaphore_mem>>)
      %dma_wait3A_61 = arith.constant 0 : i32
      %dma_wait3A_62 = tpu.memref_slice %arg10[%mul3A_10, %dma_wait3A_61] : memref<10112x128xf32, #tpu.memory_space<vmem_shared>> -> memref<632x128xf32, #tpu.memory_space<vmem_shared>>
      tpu.wait_dma2 semaphore(%run_scoped3A_58 : memref<!tpu.dma_semaphore, #tpu.memory_space<semaphore_mem>>) src(%arg4 : memref<632x128xf32, #tpu.memory_space<hbm>>) dst(%dma_wait3A_62 : memref<632x128xf32, #tpu.memory_space<vmem_shared>>)
      tpu.yield
    }) : () -> ()
    "tpu.region"() ({
      %run_scoped3A_58 = tpu.sem_alloc : memref<!tpu.dma_semaphore, #tpu.memory_space<semaphore_mem>>
      %dma_start3A_59 = arith.constant 0 : i32
      %dma_start3A_60 = arith.constant 0 : i32
      %dma_start3A_61 = tpu.memref_slice %arg3[%select_n3A, %dma_start3A_59, %dma_start3A_60] : memref<2530x2x128xi32, #tpu.memory_space<hbm>> -> memref<1x2x128xi32, #tpu.memory_space<hbm>>
      %dma_start3A_62 = tpu.memref_squeeze %dma_start3A_61 : memref<1x2x128xi32, #tpu.memory_space<hbm>> -> memref<2x128xi32, #tpu.memory_space<hbm>>
      %dma_start3A_63 = arith.constant 0 : i32
      %dma_start3A_64 = arith.constant 0 : i32
      %dma_start3A_65 = tpu.memref_slice %arg3[%select_n3A, %dma_start3A_63, %dma_start3A_64] : memref<2530x2x128xi32, #tpu.memory_space<hbm>> -> memref<1x2x128xi32, #tpu.memory_space<hbm>>
      %dma_start3A_66 = tpu.memref_squeeze %dma_start3A_65 : memref<1x2x128xi32, #tpu.memory_space<hbm>> -> memref<2x128xi32, #tpu.memory_space<hbm>>
      tpu.enqueue_dma source(%dma_start3A_66 : memref<2x128xi32, #tpu.memory_space<hbm>>) target(%arg6 : memref<2x128xi32, #tpu.memory_space<vmem>>) target_semaphore(%run_scoped3A_58 : memref<!tpu.dma_semaphore, #tpu.memory_space<semaphore_mem>>)
      %dma_wait3A_67 = arith.constant 0 : i32
      %dma_wait3A_68 = arith.constant 0 : i32
      %dma_wait3A_69 = tpu.memref_slice %arg3[%select_n3A, %dma_wait3A_67, %dma_wait3A_68] : memref<2530x2x128xi32, #tpu.memory_space<hbm>> -> memref<1x2x128xi32, #tpu.memory_space<hbm>>
      %dma_wait3A_70 = tpu.memref_squeeze %dma_wait3A_69 : memref<1x2x128xi32, #tpu.memory_space<hbm>> -> memref<2x128xi32, #tpu.memory_space<hbm>>
      %dma_wait3A_71 = arith.constant 0 : i32
      %dma_wait3A_72 = arith.constant 0 : i32
      %dma_wait3A_73 = tpu.memref_slice %arg3[%select_n3A, %dma_wait3A_71, %dma_wait3A_72] : memref<2530x2x128xi32, #tpu.memory_space<hbm>> -> memref<1x2x128xi32, #tpu.memory_space<hbm>>
      %dma_wait3A_74 = tpu.memref_squeeze %dma_wait3A_73 : memref<1x2x128xi32, #tpu.memory_space<hbm>> -> memref<2x128xi32, #tpu.memory_space<hbm>>
      tpu.wait_dma2 semaphore(%run_scoped3A_58 : memref<!tpu.dma_semaphore, #tpu.memory_space<semaphore_mem>>) src(%dma_wait3A_74 : memref<2x128xi32, #tpu.memory_space<hbm>>) dst(%arg6 : memref<2x128xi32, #tpu.memory_space<vmem>>)
      tpu.yield
    }) : () -> ()
    %barrier3A = arith.constant 0 : index
    tpu.barrier barrier_id(%barrier3A)
    %dma_start3A = arith.constant 0 : i32
    %dma_start3A_11 = arith.constant 0 : i32
    %dma_start3A_12 = tpu.memref_slice %arg6[%dma_start3A, %dma_start3A_11] : memref<2x128xi32, #tpu.memory_space<vmem>> -> memref<1x128xi32, #tpu.memory_space<vmem>>
    %dma_start3A_13 = tpu.memref_squeeze %dma_start3A_12 : memref<1x128xi32, #tpu.memory_space<vmem>> -> memref<128xi32, #tpu.memory_space<vmem>>
    %dma_start3A_14 = arith.constant 0 : i32
    %dma_start3A_15 = arith.constant 0 : i32
    %dma_start3A_16 = tpu.memref_slice %arg2[%dma_start3A_14, %dma_start3A_15] : memref<10000x128xf32, #tpu.memory_space<hbm>> -> memref<10000x128xf32, #tpu.memory_space<hbm>>
    tpu.enqueue_indirect_dma source(%dma_start3A_16 : memref<10000x128xf32, #tpu.memory_space<hbm>>) target(%arg8 : memref<128x128xf32, #tpu.memory_space<vmem>>) offsets(%dma_start3A_13 : memref<128xi32, #tpu.memory_space<vmem>>) semaphore(%arg11 : memref<!tpu.dma_semaphore, #tpu.memory_space<semaphore_mem>>)
    %add3A_17 = arith.constant 1 : i32
    %add3A_18 = arith.addi %select_n3A, %add3A_17 : i32
    "tpu.region"() ({
      %run_scoped3A_58 = tpu.sem_alloc : memref<!tpu.dma_semaphore, #tpu.memory_space<semaphore_mem>>
      %dma_start3A_59 = arith.constant 0 : i32
      %dma_start3A_60 = arith.constant 0 : i32
      %dma_start3A_61 = tpu.memref_slice %arg3[%add3A_18, %dma_start3A_59, %dma_start3A_60] : memref<2530x2x128xi32, #tpu.memory_space<hbm>> -> memref<1x2x128xi32, #tpu.memory_space<hbm>>
      %dma_start3A_62 = tpu.memref_squeeze %dma_start3A_61 : memref<1x2x128xi32, #tpu.memory_space<hbm>> -> memref<2x128xi32, #tpu.memory_space<hbm>>
      %dma_start3A_63 = arith.constant 0 : i32
      %dma_start3A_64 = arith.constant 0 : i32
      %dma_start3A_65 = tpu.memref_slice %arg3[%add3A_18, %dma_start3A_63, %dma_start3A_64] : memref<2530x2x128xi32, #tpu.memory_space<hbm>> -> memref<1x2x128xi32, #tpu.memory_space<hbm>>
      %dma_start3A_66 = tpu.memref_squeeze %dma_start3A_65 : memref<1x2x128xi32, #tpu.memory_space<hbm>> -> memref<2x128xi32, #tpu.memory_space<hbm>>
      tpu.enqueue_dma source(%dma_start3A_66 : memref<2x128xi32, #tpu.memory_space<hbm>>) target(%arg7 : memref<2x128xi32, #tpu.memory_space<vmem>>) target_semaphore(%run_scoped3A_58 : memref<!tpu.dma_semaphore, #tpu.memory_space<semaphore_mem>>)
      %dma_wait3A_67 = arith.constant 0 : i32
      %dma_wait3A_68 = arith.constant 0 : i32
      %dma_wait3A_69 = tpu.memref_slice %arg3[%add3A_18, %dma_wait3A_67, %dma_wait3A_68] : memref<2530x2x128xi32, #tpu.memory_space<hbm>> -> memref<1x2x128xi32, #tpu.memory_space<hbm>>
      %dma_wait3A_70 = tpu.memref_squeeze %dma_wait3A_69 : memref<1x2x128xi32, #tpu.memory_space<hbm>> -> memref<2x128xi32, #tpu.memory_space<hbm>>
      %dma_wait3A_71 = arith.constant 0 : i32
      %dma_wait3A_72 = arith.constant 0 : i32
      %dma_wait3A_73 = tpu.memref_slice %arg3[%add3A_18, %dma_wait3A_71, %dma_wait3A_72] : memref<2530x2x128xi32, #tpu.memory_space<hbm>> -> memref<1x2x128xi32, #tpu.memory_space<hbm>>
      %dma_wait3A_74 = tpu.memref_squeeze %dma_wait3A_73 : memref<1x2x128xi32, #tpu.memory_space<hbm>> -> memref<2x128xi32, #tpu.memory_space<hbm>>
      tpu.wait_dma2 semaphore(%run_scoped3A_58 : memref<!tpu.dma_semaphore, #tpu.memory_space<semaphore_mem>>) src(%dma_wait3A_74 : memref<2x128xi32, #tpu.memory_space<hbm>>) dst(%arg7 : memref<2x128xi32, #tpu.memory_space<vmem>>)
      tpu.yield
    }) : () -> ()
    %sub3A = arith.constant 1 : i32
    %sub3A_19 = arith.subi %select_n3A_8, %sub3A : i32
    %jit3A_20 = arith.constant 2 : i32
    %div3A = arith.divsi %sub3A_19, %jit3A_20 : i32
    %sign3A = arith.constant 0 : i32
    %sign3A_21 = arith.cmpi sgt, %sub3A_19, %sign3A : i32
    %sign3A_22 = arith.extui %sign3A_21 : i1 to i32
    %sign3A_23 = arith.constant 0 : i32
    %sign3A_24 = arith.cmpi slt, %sub3A_19, %sign3A_23 : i32
    %sign3A_25 = arith.extui %sign3A_24 : i1 to i32
    %sign3A_26 = arith.subi %sign3A_22, %sign3A_25 : i32
    %sign3A_27 = arith.constant 0 : i32
    %sign3A_28 = arith.cmpi sgt, %jit3A_20, %sign3A_27 : i32
    %sign3A_29 = arith.extui %sign3A_28 : i1 to i32
    %sign3A_30 = arith.constant 0 : i32
    %sign3A_31 = arith.cmpi slt, %jit3A_20, %sign3A_30 : i32
    %sign3A_32 = arith.extui %sign3A_31 : i1 to i32
    %sign3A_33 = arith.subi %sign3A_29, %sign3A_32 : i32
    %ne3A = arith.cmpi ne, %sign3A_26, %sign3A_33 : i32
    %rem3A = arith.remsi %sub3A_19, %jit3A_20 : i32
    %ne3A_34 = arith.constant 0 : i32
    %ne3A_35 = arith.cmpi ne, %rem3A, %ne3A_34 : i32
    %and3A = arith.andi %ne3A, %ne3A_35 : i1
    %sub3A_36 = arith.constant 1 : i32
    %sub3A_37 = arith.subi %div3A, %sub3A_36 : i32
    %select_n3A_38 = arith.select %and3A, %sub3A_37, %div3A : i32
    %while3A = arith.constant 0 : i32
    %while3A_39 = arith.subi %select_n3A_38, %while3A : i32
    %while3A_40 = arith.addi %while3A, %while3A_39 : i32
    %while3A_41 = arith.constant 1 : i32
    %while3A_42 = arith.divsi %while3A_39, %while3A_41 : i32
    %while3A_43 = arith.muli %while3A_42, %while3A_41 : i32
    %while3A_44 = arith.addi %while3A, %while3A_43 : i32
    %while3A_45 = arith.constant 1 : i32
    scf.for %while3A_58 = %while3A to %while3A_44 step %while3A_45  : i32 {
      %mul3A_59 = arith.constant 2 : i32
      %mul3A_60 = arith.muli %mul3A_59, %while3A_58 : i32
      %add3A_61 = arith.addi %select_n3A, %mul3A_60 : i32
      %dma_start3A_62 = arith.constant 0 : i32
      %dma_start3A_63 = arith.constant 0 : i32
      %dma_start3A_64 = tpu.memref_slice %arg7[%dma_start3A_62, %dma_start3A_63] : memref<2x128xi32, #tpu.memory_space<vmem>> -> memref<1x128xi32, #tpu.memory_space<vmem>>
      %dma_start3A_65 = tpu.memref_squeeze %dma_start3A_64 : memref<1x128xi32, #tpu.memory_space<vmem>> -> memref<128xi32, #tpu.memory_space<vmem>>
      %dma_start3A_66 = arith.constant 0 : i32
      %dma_start3A_67 = arith.constant 0 : i32
      %dma_start3A_68 = tpu.memref_slice %arg2[%dma_start3A_66, %dma_start3A_67] : memref<10000x128xf32, #tpu.memory_space<hbm>> -> memref<10000x128xf32, #tpu.memory_space<hbm>>
      tpu.enqueue_indirect_dma source(%dma_start3A_68 : memref<10000x128xf32, #tpu.memory_space<hbm>>) target(%arg9 : memref<128x128xf32, #tpu.memory_space<vmem>>) offsets(%dma_start3A_65 : memref<128xi32, #tpu.memory_space<vmem>>) semaphore(%arg12 : memref<!tpu.dma_semaphore, #tpu.memory_space<semaphore_mem>>)
      %dma_wait3A_69 = arith.constant 0 : i32
      %dma_wait3A_70 = arith.constant 0 : i32
      %dma_wait3A_71 = tpu.memref_slice %arg6[%dma_wait3A_69, %dma_wait3A_70] : memref<2x128xi32, #tpu.memory_space<vmem>> -> memref<1x128xi32, #tpu.memory_space<vmem>>
      %dma_wait3A_72 = tpu.memref_squeeze %dma_wait3A_71 : memref<1x128xi32, #tpu.memory_space<vmem>> -> memref<128xi32, #tpu.memory_space<vmem>>
      %dma_wait3A_73 = arith.constant 0 : i32
      %dma_wait3A_74 = arith.constant 0 : i32
      %dma_wait3A_75 = tpu.memref_slice %arg2[%dma_wait3A_73, %dma_wait3A_74] : memref<10000x128xf32, #tpu.memory_space<hbm>> -> memref<10000x128xf32, #tpu.memory_space<hbm>>
      tpu.wait_indirect_dma semaphore(%arg11 : memref<!tpu.dma_semaphore, #tpu.memory_space<semaphore_mem>>) src(%dma_wait3A_75 : memref<10000x128xf32, #tpu.memory_space<hbm>>) dst(%arg8 : memref<128x128xf32, #tpu.memory_space<vmem>>)
      %run_scoped3A_76 = arith.constant 1 : i32
      "tpu.region"() ({
        %run_scoped3A_96 = tpu.sem_alloc : memref<!tpu.dma_semaphore, #tpu.memory_space<semaphore_mem>>
        %dma_start3A_97 = arith.constant 0 : i32
        %dma_start3A_98 = tpu.memref_slice %arg6[%run_scoped3A_76, %dma_start3A_97] : memref<2x128xi32, #tpu.memory_space<vmem>> -> memref<1x128xi32, #tpu.memory_space<vmem>>
        %dma_start3A_99 = tpu.memref_squeeze %dma_start3A_98 : memref<1x128xi32, #tpu.memory_space<vmem>> -> memref<128xi32, #tpu.memory_space<vmem>>
        %dma_start3A_100 = arith.constant 0 : i32
        %dma_start3A_101 = arith.constant 0 : i32
        %dma_start3A_102 = tpu.memref_slice %arg10[%dma_start3A_100, %dma_start3A_101] : memref<10112x128xf32, #tpu.memory_space<vmem_shared>> -> memref<10112x128xf32, #tpu.memory_space<vmem_shared>>
        tpu.enqueue_indirect_dma source(%arg8 : memref<128x128xf32, #tpu.memory_space<vmem>>) target(%dma_start3A_102 : memref<10112x128xf32, #tpu.memory_space<vmem_shared>>) offsets(%dma_start3A_99 : memref<128xi32, #tpu.memory_space<vmem>>) semaphore(%run_scoped3A_96 : memref<!tpu.dma_semaphore, #tpu.memory_space<semaphore_mem>>) {add = true}
        %dma_wait3A_103 = arith.constant 0 : i32
        %dma_wait3A_104 = tpu.memref_slice %arg6[%run_scoped3A_76, %dma_wait3A_103] : memref<2x128xi32, #tpu.memory_space<vmem>> -> memref<1x128xi32, #tpu.memory_space<vmem>>
        %dma_wait3A_105 = tpu.memref_squeeze %dma_wait3A_104 : memref<1x128xi32, #tpu.memory_space<vmem>> -> memref<128xi32, #tpu.memory_space<vmem>>
        %dma_wait3A_106 = arith.constant 0 : i32
        %dma_wait3A_107 = arith.constant 0 : i32
        %dma_wait3A_108 = tpu.memref_slice %arg10[%dma_wait3A_106, %dma_wait3A_107] : memref<10112x128xf32, #tpu.memory_space<vmem_shared>> -> memref<10112x128xf32, #tpu.memory_space<vmem_shared>>
        tpu.wait_indirect_dma semaphore(%run_scoped3A_96 : memref<!tpu.dma_semaphore, #tpu.memory_space<semaphore_mem>>) src(%arg8 : memref<128x128xf32, #tpu.memory_space<vmem>>) dst(%dma_wait3A_108 : memref<10112x128xf32, #tpu.memory_space<vmem_shared>>)
        tpu.yield
      }) : () -> ()
      %add3A_77 = arith.constant 2 : i32
      %add3A_78 = arith.addi %add3A_61, %add3A_77 : i32
      "tpu.region"() ({
        %run_scoped3A_96 = tpu.sem_alloc : memref<!tpu.dma_semaphore, #tpu.memory_space<semaphore_mem>>
        %dma_start3A_97 = arith.constant 0 : i32
        %dma_start3A_98 = arith.constant 0 : i32
        %dma_start3A_99 = tpu.memref_slice %arg3[%add3A_78, %dma_start3A_97, %dma_start3A_98] : memref<2530x2x128xi32, #tpu.memory_space<hbm>> -> memref<1x2x128xi32, #tpu.memory_space<hbm>>
        %dma_start3A_100 = tpu.memref_squeeze %dma_start3A_99 : memref<1x2x128xi32, #tpu.memory_space<hbm>> -> memref<2x128xi32, #tpu.memory_space<hbm>>
        %dma_start3A_101 = arith.constant 0 : i32
        %dma_start3A_102 = arith.constant 0 : i32
        %dma_start3A_103 = tpu.memref_slice %arg3[%add3A_78, %dma_start3A_101, %dma_start3A_102] : memref<2530x2x128xi32, #tpu.memory_space<hbm>> -> memref<1x2x128xi32, #tpu.memory_space<hbm>>
        %dma_start3A_104 = tpu.memref_squeeze %dma_start3A_103 : memref<1x2x128xi32, #tpu.memory_space<hbm>> -> memref<2x128xi32, #tpu.memory_space<hbm>>
        tpu.enqueue_dma source(%dma_start3A_104 : memref<2x128xi32, #tpu.memory_space<hbm>>) target(%arg6 : memref<2x128xi32, #tpu.memory_space<vmem>>) target_semaphore(%run_scoped3A_96 : memref<!tpu.dma_semaphore, #tpu.memory_space<semaphore_mem>>)
        %dma_wait3A_105 = arith.constant 0 : i32
        %dma_wait3A_106 = arith.constant 0 : i32
        %dma_wait3A_107 = tpu.memref_slice %arg3[%add3A_78, %dma_wait3A_105, %dma_wait3A_106] : memref<2530x2x128xi32, #tpu.memory_space<hbm>> -> memref<1x2x128xi32, #tpu.memory_space<hbm>>
        %dma_wait3A_108 = tpu.memref_squeeze %dma_wait3A_107 : memref<1x2x128xi32, #tpu.memory_space<hbm>> -> memref<2x128xi32, #tpu.memory_space<hbm>>
        %dma_wait3A_109 = arith.constant 0 : i32
        %dma_wait3A_110 = arith.constant 0 : i32
        %dma_wait3A_111 = tpu.memref_slice %arg3[%add3A_78, %dma_wait3A_109, %dma_wait3A_110] : memref<2530x2x128xi32, #tpu.memory_space<hbm>> -> memref<1x2x128xi32, #tpu.memory_space<hbm>>
        %dma_wait3A_112 = tpu.memref_squeeze %dma_wait3A_111 : memref<1x2x128xi32, #tpu.memory_space<hbm>> -> memref<2x128xi32, #tpu.memory_space<hbm>>
        tpu.wait_dma2 semaphore(%run_scoped3A_96 : memref<!tpu.dma_semaphore, #tpu.memory_space<semaphore_mem>>) src(%dma_wait3A_112 : memref<2x128xi32, #tpu.memory_space<hbm>>) dst(%arg6 : memref<2x128xi32, #tpu.memory_space<vmem>>)
        tpu.yield
      }) : () -> ()
      %dma_start3A_79 = arith.constant 0 : i32
      %dma_start3A_80 = arith.constant 0 : i32
      %dma_start3A_81 = tpu.memref_slice %arg6[%dma_start3A_79, %dma_start3A_80] : memref<2x128xi32, #tpu.memory_space<vmem>> -> memref<1x128xi32, #tpu.memory_space<vmem>>
      %dma_start3A_82 = tpu.memref_squeeze %dma_start3A_81 : memref<1x128xi32, #tpu.memory_space<vmem>> -> memref<128xi32, #tpu.memory_space<vmem>>
      %dma_start3A_83 = arith.constant 0 : i32
      %dma_start3A_84 = arith.constant 0 : i32
      %dma_start3A_85 = tpu.memref_slice %arg2[%dma_start3A_83, %dma_start3A_84] : memref<10000x128xf32, #tpu.memory_space<hbm>> -> memref<10000x128xf32, #tpu.memory_space<hbm>>
      tpu.enqueue_indirect_dma source(%dma_start3A_85 : memref<10000x128xf32, #tpu.memory_space<hbm>>) target(%arg8 : memref<128x128xf32, #tpu.memory_space<vmem>>) offsets(%dma_start3A_82 : memref<128xi32, #tpu.memory_space<vmem>>) semaphore(%arg11 : memref<!tpu.dma_semaphore, #tpu.memory_space<semaphore_mem>>)
      %dma_wait3A_86 = arith.constant 0 : i32
      %dma_wait3A_87 = arith.constant 0 : i32
      %dma_wait3A_88 = tpu.memref_slice %arg7[%dma_wait3A_86, %dma_wait3A_87] : memref<2x128xi32, #tpu.memory_space<vmem>> -> memref<1x128xi32, #tpu.memory_space<vmem>>
      %dma_wait3A_89 = tpu.memref_squeeze %dma_wait3A_88 : memref<1x128xi32, #tpu.memory_space<vmem>> -> memref<128xi32, #tpu.memory_space<vmem>>
      %dma_wait3A_90 = arith.constant 0 : i32
      %dma_wait3A_91 = arith.constant 0 : i32
      %dma_wait3A_92 = tpu.memref_slice %arg2[%dma_wait3A_90, %dma_wait3A_91] : memref<10000x128xf32, #tpu.memory_space<hbm>> -> memref<10000x128xf32, #tpu.memory_space<hbm>>
      tpu.wait_indirect_dma semaphore(%arg12 : memref<!tpu.dma_semaphore, #tpu.memory_space<semaphore_mem>>) src(%dma_wait3A_92 : memref<10000x128xf32, #tpu.memory_space<hbm>>) dst(%arg9 : memref<128x128xf32, #tpu.memory_space<vmem>>)
      %run_scoped3A_93 = arith.constant 1 : i32
      "tpu.region"() ({
        %run_scoped3A_96 = tpu.sem_alloc : memref<!tpu.dma_semaphore, #tpu.memory_space<semaphore_mem>>
        %dma_start3A_97 = arith.constant 0 : i32
        %dma_start3A_98 = tpu.memref_slice %arg7[%run_scoped3A_93, %dma_start3A_97] : memref<2x128xi32, #tpu.memory_space<vmem>> -> memref<1x128xi32, #tpu.memory_space<vmem>>
        %dma_start3A_99 = tpu.memref_squeeze %dma_start3A_98 : memref<1x128xi32, #tpu.memory_space<vmem>> -> memref<128xi32, #tpu.memory_space<vmem>>
        %dma_start3A_100 = arith.constant 0 : i32
        %dma_start3A_101 = arith.constant 0 : i32
        %dma_start3A_102 = tpu.memref_slice %arg10[%dma_start3A_100, %dma_start3A_101] : memref<10112x128xf32, #tpu.memory_space<vmem_shared>> -> memref<10112x128xf32, #tpu.memory_space<vmem_shared>>
        tpu.enqueue_indirect_dma source(%arg9 : memref<128x128xf32, #tpu.memory_space<vmem>>) target(%dma_start3A_102 : memref<10112x128xf32, #tpu.memory_space<vmem_shared>>) offsets(%dma_start3A_99 : memref<128xi32, #tpu.memory_space<vmem>>) semaphore(%run_scoped3A_96 : memref<!tpu.dma_semaphore, #tpu.memory_space<semaphore_mem>>) {add = true}
        %dma_wait3A_103 = arith.constant 0 : i32
        %dma_wait3A_104 = tpu.memref_slice %arg7[%run_scoped3A_93, %dma_wait3A_103] : memref<2x128xi32, #tpu.memory_space<vmem>> -> memref<1x128xi32, #tpu.memory_space<vmem>>
        %dma_wait3A_105 = tpu.memref_squeeze %dma_wait3A_104 : memref<1x128xi32, #tpu.memory_space<vmem>> -> memref<128xi32, #tpu.memory_space<vmem>>
        %dma_wait3A_106 = arith.constant 0 : i32
        %dma_wait3A_107 = arith.constant 0 : i32
        %dma_wait3A_108 = tpu.memref_slice %arg10[%dma_wait3A_106, %dma_wait3A_107] : memref<10112x128xf32, #tpu.memory_space<vmem_shared>> -> memref<10112x128xf32, #tpu.memory_space<vmem_shared>>
        tpu.wait_indirect_dma semaphore(%run_scoped3A_96 : memref<!tpu.dma_semaphore, #tpu.memory_space<semaphore_mem>>) src(%arg9 : memref<128x128xf32, #tpu.memory_space<vmem>>) dst(%dma_wait3A_108 : memref<10112x128xf32, #tpu.memory_space<vmem_shared>>)
        tpu.yield
      }) : () -> ()
      %add3A_94 = arith.constant 3 : i32
      %add3A_95 = arith.addi %add3A_61, %add3A_94 : i32
      "tpu.region"() ({
        %run_scoped3A_96 = tpu.sem_alloc : memref<!tpu.dma_semaphore, #tpu.memory_space<semaphore_mem>>
        %dma_start3A_97 = arith.constant 0 : i32
        %dma_start3A_98 = arith.constant 0 : i32
        %dma_start3A_99 = tpu.memref_slice %arg3[%add3A_95, %dma_start3A_97, %dma_start3A_98] : memref<2530x2x128xi32, #tpu.memory_space<hbm>> -> memref<1x2x128xi32, #tpu.memory_space<hbm>>
        %dma_start3A_100 = tpu.memref_squeeze %dma_start3A_99 : memref<1x2x128xi32, #tpu.memory_space<hbm>> -> memref<2x128xi32, #tpu.memory_space<hbm>>
        %dma_start3A_101 = arith.constant 0 : i32
        %dma_start3A_102 = arith.constant 0 : i32
        %dma_start3A_103 = tpu.memref_slice %arg3[%add3A_95, %dma_start3A_101, %dma_start3A_102] : memref<2530x2x128xi32, #tpu.memory_space<hbm>> -> memref<1x2x128xi32, #tpu.memory_space<hbm>>
        %dma_start3A_104 = tpu.memref_squeeze %dma_start3A_103 : memref<1x2x128xi32, #tpu.memory_space<hbm>> -> memref<2x128xi32, #tpu.memory_space<hbm>>
        tpu.enqueue_dma source(%dma_start3A_104 : memref<2x128xi32, #tpu.memory_space<hbm>>) target(%arg7 : memref<2x128xi32, #tpu.memory_space<vmem>>) target_semaphore(%run_scoped3A_96 : memref<!tpu.dma_semaphore, #tpu.memory_space<semaphore_mem>>)
        %dma_wait3A_105 = arith.constant 0 : i32
        %dma_wait3A_106 = arith.constant 0 : i32
        %dma_wait3A_107 = tpu.memref_slice %arg3[%add3A_95, %dma_wait3A_105, %dma_wait3A_106] : memref<2530x2x128xi32, #tpu.memory_space<hbm>> -> memref<1x2x128xi32, #tpu.memory_space<hbm>>
        %dma_wait3A_108 = tpu.memref_squeeze %dma_wait3A_107 : memref<1x2x128xi32, #tpu.memory_space<hbm>> -> memref<2x128xi32, #tpu.memory_space<hbm>>
        %dma_wait3A_109 = arith.constant 0 : i32
        %dma_wait3A_110 = arith.constant 0 : i32
        %dma_wait3A_111 = tpu.memref_slice %arg3[%add3A_95, %dma_wait3A_109, %dma_wait3A_110] : memref<2530x2x128xi32, #tpu.memory_space<hbm>> -> memref<1x2x128xi32, #tpu.memory_space<hbm>>
        %dma_wait3A_112 = tpu.memref_squeeze %dma_wait3A_111 : memref<1x2x128xi32, #tpu.memory_space<hbm>> -> memref<2x128xi32, #tpu.memory_space<hbm>>
        tpu.wait_dma2 semaphore(%run_scoped3A_96 : memref<!tpu.dma_semaphore, #tpu.memory_space<semaphore_mem>>) src(%dma_wait3A_112 : memref<2x128xi32, #tpu.memory_space<hbm>>) dst(%arg7 : memref<2x128xi32, #tpu.memory_space<vmem>>)
        tpu.yield
      }) : () -> ()
    }
    %while3A_46 = arith.constant 1 : i32
    scf.for %while3A_58 = %while3A_44 to %while3A_40 step %while3A_46  : i32 {
      %mul3A_59 = arith.constant 2 : i32
      %mul3A_60 = arith.muli %mul3A_59, %while3A_58 : i32
      %add3A_61 = arith.addi %select_n3A, %mul3A_60 : i32
      %dma_start3A_62 = arith.constant 0 : i32
      %dma_start3A_63 = arith.constant 0 : i32
      %dma_start3A_64 = tpu.memref_slice %arg7[%dma_start3A_62, %dma_start3A_63] : memref<2x128xi32, #tpu.memory_space<vmem>> -> memref<1x128xi32, #tpu.memory_space<vmem>>
      %dma_start3A_65 = tpu.memref_squeeze %dma_start3A_64 : memref<1x128xi32, #tpu.memory_space<vmem>> -> memref<128xi32, #tpu.memory_space<vmem>>
      %dma_start3A_66 = arith.constant 0 : i32
      %dma_start3A_67 = arith.constant 0 : i32
      %dma_start3A_68 = tpu.memref_slice %arg2[%dma_start3A_66, %dma_start3A_67] : memref<10000x128xf32, #tpu.memory_space<hbm>> -> memref<10000x128xf32, #tpu.memory_space<hbm>>
      tpu.enqueue_indirect_dma source(%dma_start3A_68 : memref<10000x128xf32, #tpu.memory_space<hbm>>) target(%arg9 : memref<128x128xf32, #tpu.memory_space<vmem>>) offsets(%dma_start3A_65 : memref<128xi32, #tpu.memory_space<vmem>>) semaphore(%arg12 : memref<!tpu.dma_semaphore, #tpu.memory_space<semaphore_mem>>)
      %dma_wait3A_69 = arith.constant 0 : i32
      %dma_wait3A_70 = arith.constant 0 : i32
      %dma_wait3A_71 = tpu.memref_slice %arg6[%dma_wait3A_69, %dma_wait3A_70] : memref<2x128xi32, #tpu.memory_space<vmem>> -> memref<1x128xi32, #tpu.memory_space<vmem>>
      %dma_wait3A_72 = tpu.memref_squeeze %dma_wait3A_71 : memref<1x128xi32, #tpu.memory_space<vmem>> -> memref<128xi32, #tpu.memory_space<vmem>>
      %dma_wait3A_73 = arith.constant 0 : i32
      %dma_wait3A_74 = arith.constant 0 : i32
      %dma_wait3A_75 = tpu.memref_slice %arg2[%dma_wait3A_73, %dma_wait3A_74] : memref<10000x128xf32, #tpu.memory_space<hbm>> -> memref<10000x128xf32, #tpu.memory_space<hbm>>
      tpu.wait_indirect_dma semaphore(%arg11 : memref<!tpu.dma_semaphore, #tpu.memory_space<semaphore_mem>>) src(%dma_wait3A_75 : memref<10000x128xf32, #tpu.memory_space<hbm>>) dst(%arg8 : memref<128x128xf32, #tpu.memory_space<vmem>>)
      %run_scoped3A_76 = arith.constant 1 : i32
      "tpu.region"() ({
        %run_scoped3A_96 = tpu.sem_alloc : memref<!tpu.dma_semaphore, #tpu.memory_space<semaphore_mem>>
        %dma_start3A_97 = arith.constant 0 : i32
        %dma_start3A_98 = tpu.memref_slice %arg6[%run_scoped3A_76, %dma_start3A_97] : memref<2x128xi32, #tpu.memory_space<vmem>> -> memref<1x128xi32, #tpu.memory_space<vmem>>
        %dma_start3A_99 = tpu.memref_squeeze %dma_start3A_98 : memref<1x128xi32, #tpu.memory_space<vmem>> -> memref<128xi32, #tpu.memory_space<vmem>>
        %dma_start3A_100 = arith.constant 0 : i32
        %dma_start3A_101 = arith.constant 0 : i32
        %dma_start3A_102 = tpu.memref_slice %arg10[%dma_start3A_100, %dma_start3A_101] : memref<10112x128xf32, #tpu.memory_space<vmem_shared>> -> memref<10112x128xf32, #tpu.memory_space<vmem_shared>>
        tpu.enqueue_indirect_dma source(%arg8 : memref<128x128xf32, #tpu.memory_space<vmem>>) target(%dma_start3A_102 : memref<10112x128xf32, #tpu.memory_space<vmem_shared>>) offsets(%dma_start3A_99 : memref<128xi32, #tpu.memory_space<vmem>>) semaphore(%run_scoped3A_96 : memref<!tpu.dma_semaphore, #tpu.memory_space<semaphore_mem>>) {add = true}
        %dma_wait3A_103 = arith.constant 0 : i32
        %dma_wait3A_104 = tpu.memref_slice %arg6[%run_scoped3A_76, %dma_wait3A_103] : memref<2x128xi32, #tpu.memory_space<vmem>> -> memref<1x128xi32, #tpu.memory_space<vmem>>
        %dma_wait3A_105 = tpu.memref_squeeze %dma_wait3A_104 : memref<1x128xi32, #tpu.memory_space<vmem>> -> memref<128xi32, #tpu.memory_space<vmem>>
        %dma_wait3A_106 = arith.constant 0 : i32
        %dma_wait3A_107 = arith.constant 0 : i32
        %dma_wait3A_108 = tpu.memref_slice %arg10[%dma_wait3A_106, %dma_wait3A_107] : memref<10112x128xf32, #tpu.memory_space<vmem_shared>> -> memref<10112x128xf32, #tpu.memory_space<vmem_shared>>
        tpu.wait_indirect_dma semaphore(%run_scoped3A_96 : memref<!tpu.dma_semaphore, #tpu.memory_space<semaphore_mem>>) src(%arg8 : memref<128x128xf32, #tpu.memory_space<vmem>>) dst(%dma_wait3A_108 : memref<10112x128xf32, #tpu.memory_space<vmem_shared>>)
        tpu.yield
      }) : () -> ()
      %add3A_77 = arith.constant 2 : i32
      %add3A_78 = arith.addi %add3A_61, %add3A_77 : i32
      "tpu.region"() ({
        %run_scoped3A_96 = tpu.sem_alloc : memref<!tpu.dma_semaphore, #tpu.memory_space<semaphore_mem>>
        %dma_start3A_97 = arith.constant 0 : i32
        %dma_start3A_98 = arith.constant 0 : i32
        %dma_start3A_99 = tpu.memref_slice %arg3[%add3A_78, %dma_start3A_97, %dma_start3A_98] : memref<2530x2x128xi32, #tpu.memory_space<hbm>> -> memref<1x2x128xi32, #tpu.memory_space<hbm>>
        %dma_start3A_100 = tpu.memref_squeeze %dma_start3A_99 : memref<1x2x128xi32, #tpu.memory_space<hbm>> -> memref<2x128xi32, #tpu.memory_space<hbm>>
        %dma_start3A_101 = arith.constant 0 : i32
        %dma_start3A_102 = arith.constant 0 : i32
        %dma_start3A_103 = tpu.memref_slice %arg3[%add3A_78, %dma_start3A_101, %dma_start3A_102] : memref<2530x2x128xi32, #tpu.memory_space<hbm>> -> memref<1x2x128xi32, #tpu.memory_space<hbm>>
        %dma_start3A_104 = tpu.memref_squeeze %dma_start3A_103 : memref<1x2x128xi32, #tpu.memory_space<hbm>> -> memref<2x128xi32, #tpu.memory_space<hbm>>
        tpu.enqueue_dma source(%dma_start3A_104 : memref<2x128xi32, #tpu.memory_space<hbm>>) target(%arg6 : memref<2x128xi32, #tpu.memory_space<vmem>>) target_semaphore(%run_scoped3A_96 : memref<!tpu.dma_semaphore, #tpu.memory_space<semaphore_mem>>)
        %dma_wait3A_105 = arith.constant 0 : i32
        %dma_wait3A_106 = arith.constant 0 : i32
        %dma_wait3A_107 = tpu.memref_slice %arg3[%add3A_78, %dma_wait3A_105, %dma_wait3A_106] : memref<2530x2x128xi32, #tpu.memory_space<hbm>> -> memref<1x2x128xi32, #tpu.memory_space<hbm>>
        %dma_wait3A_108 = tpu.memref_squeeze %dma_wait3A_107 : memref<1x2x128xi32, #tpu.memory_space<hbm>> -> memref<2x128xi32, #tpu.memory_space<hbm>>
        %dma_wait3A_109 = arith.constant 0 : i32
        %dma_wait3A_110 = arith.constant 0 : i32
        %dma_wait3A_111 = tpu.memref_slice %arg3[%add3A_78, %dma_wait3A_109, %dma_wait3A_110] : memref<2530x2x128xi32, #tpu.memory_space<hbm>> -> memref<1x2x128xi32, #tpu.memory_space<hbm>>
        %dma_wait3A_112 = tpu.memref_squeeze %dma_wait3A_111 : memref<1x2x128xi32, #tpu.memory_space<hbm>> -> memref<2x128xi32, #tpu.memory_space<hbm>>
        tpu.wait_dma2 semaphore(%run_scoped3A_96 : memref<!tpu.dma_semaphore, #tpu.memory_space<semaphore_mem>>) src(%dma_wait3A_112 : memref<2x128xi32, #tpu.memory_space<hbm>>) dst(%arg6 : memref<2x128xi32, #tpu.memory_space<vmem>>)
        tpu.yield
      }) : () -> ()
      %dma_start3A_79 = arith.constant 0 : i32
      %dma_start3A_80 = arith.constant 0 : i32
      %dma_start3A_81 = tpu.memref_slice %arg6[%dma_start3A_79, %dma_start3A_80] : memref<2x128xi32, #tpu.memory_space<vmem>> -> memref<1x128xi32, #tpu.memory_space<vmem>>
      %dma_start3A_82 = tpu.memref_squeeze %dma_start3A_81 : memref<1x128xi32, #tpu.memory_space<vmem>> -> memref<128xi32, #tpu.memory_space<vmem>>
      %dma_start3A_83 = arith.constant 0 : i32
      %dma_start3A_84 = arith.constant 0 : i32
      %dma_start3A_85 = tpu.memref_slice %arg2[%dma_start3A_83, %dma_start3A_84] : memref<10000x128xf32, #tpu.memory_space<hbm>> -> memref<10000x128xf32, #tpu.memory_space<hbm>>
      tpu.enqueue_indirect_dma source(%dma_start3A_85 : memref<10000x128xf32, #tpu.memory_space<hbm>>) target(%arg8 : memref<128x128xf32, #tpu.memory_space<vmem>>) offsets(%dma_start3A_82 : memref<128xi32, #tpu.memory_space<vmem>>) semaphore(%arg11 : memref<!tpu.dma_semaphore, #tpu.memory_space<semaphore_mem>>)
      %dma_wait3A_86 = arith.constant 0 : i32
      %dma_wait3A_87 = arith.constant 0 : i32
      %dma_wait3A_88 = tpu.memref_slice %arg7[%dma_wait3A_86, %dma_wait3A_87] : memref<2x128xi32, #tpu.memory_space<vmem>> -> memref<1x128xi32, #tpu.memory_space<vmem>>
      %dma_wait3A_89 = tpu.memref_squeeze %dma_wait3A_88 : memref<1x128xi32, #tpu.memory_space<vmem>> -> memref<128xi32, #tpu.memory_space<vmem>>
      %dma_wait3A_90 = arith.constant 0 : i32
      %dma_wait3A_91 = arith.constant 0 : i32
      %dma_wait3A_92 = tpu.memref_slice %arg2[%dma_wait3A_90, %dma_wait3A_91] : memref<10000x128xf32, #tpu.memory_space<hbm>> -> memref<10000x128xf32, #tpu.memory_space<hbm>>
      tpu.wait_indirect_dma semaphore(%arg12 : memref<!tpu.dma_semaphore, #tpu.memory_space<semaphore_mem>>) src(%dma_wait3A_92 : memref<10000x128xf32, #tpu.memory_space<hbm>>) dst(%arg9 : memref<128x128xf32, #tpu.memory_space<vmem>>)
      %run_scoped3A_93 = arith.constant 1 : i32
      "tpu.region"() ({
        %run_scoped3A_96 = tpu.sem_alloc : memref<!tpu.dma_semaphore, #tpu.memory_space<semaphore_mem>>
        %dma_start3A_97 = arith.constant 0 : i32
        %dma_start3A_98 = tpu.memref_slice %arg7[%run_scoped3A_93, %dma_start3A_97] : memref<2x128xi32, #tpu.memory_space<vmem>> -> memref<1x128xi32, #tpu.memory_space<vmem>>
        %dma_start3A_99 = tpu.memref_squeeze %dma_start3A_98 : memref<1x128xi32, #tpu.memory_space<vmem>> -> memref<128xi32, #tpu.memory_space<vmem>>
        %dma_start3A_100 = arith.constant 0 : i32
        %dma_start3A_101 = arith.constant 0 : i32
        %dma_start3A_102 = tpu.memref_slice %arg10[%dma_start3A_100, %dma_start3A_101] : memref<10112x128xf32, #tpu.memory_space<vmem_shared>> -> memref<10112x128xf32, #tpu.memory_space<vmem_shared>>
        tpu.enqueue_indirect_dma source(%arg9 : memref<128x128xf32, #tpu.memory_space<vmem>>) target(%dma_start3A_102 : memref<10112x128xf32, #tpu.memory_space<vmem_shared>>) offsets(%dma_start3A_99 : memref<128xi32, #tpu.memory_space<vmem>>) semaphore(%run_scoped3A_96 : memref<!tpu.dma_semaphore, #tpu.memory_space<semaphore_mem>>) {add = true}
        %dma_wait3A_103 = arith.constant 0 : i32
        %dma_wait3A_104 = tpu.memref_slice %arg7[%run_scoped3A_93, %dma_wait3A_103] : memref<2x128xi32, #tpu.memory_space<vmem>> -> memref<1x128xi32, #tpu.memory_space<vmem>>
        %dma_wait3A_105 = tpu.memref_squeeze %dma_wait3A_104 : memref<1x128xi32, #tpu.memory_space<vmem>> -> memref<128xi32, #tpu.memory_space<vmem>>
        %dma_wait3A_106 = arith.constant 0 : i32
        %dma_wait3A_107 = arith.constant 0 : i32
        %dma_wait3A_108 = tpu.memref_slice %arg10[%dma_wait3A_106, %dma_wait3A_107] : memref<10112x128xf32, #tpu.memory_space<vmem_shared>> -> memref<10112x128xf32, #tpu.memory_space<vmem_shared>>
        tpu.wait_indirect_dma semaphore(%run_scoped3A_96 : memref<!tpu.dma_semaphore, #tpu.memory_space<semaphore_mem>>) src(%arg9 : memref<128x128xf32, #tpu.memory_space<vmem>>) dst(%dma_wait3A_108 : memref<10112x128xf32, #tpu.memory_space<vmem_shared>>)
        tpu.yield
      }) : () -> ()
      %add3A_94 = arith.constant 3 : i32
      %add3A_95 = arith.addi %add3A_61, %add3A_94 : i32
      "tpu.region"() ({
        %run_scoped3A_96 = tpu.sem_alloc : memref<!tpu.dma_semaphore, #tpu.memory_space<semaphore_mem>>
        %dma_start3A_97 = arith.constant 0 : i32
        %dma_start3A_98 = arith.constant 0 : i32
        %dma_start3A_99 = tpu.memref_slice %arg3[%add3A_95, %dma_start3A_97, %dma_start3A_98] : memref<2530x2x128xi32, #tpu.memory_space<hbm>> -> memref<1x2x128xi32, #tpu.memory_space<hbm>>
        %dma_start3A_100 = tpu.memref_squeeze %dma_start3A_99 : memref<1x2x128xi32, #tpu.memory_space<hbm>> -> memref<2x128xi32, #tpu.memory_space<hbm>>
        %dma_start3A_101 = arith.constant 0 : i32
        %dma_start3A_102 = arith.constant 0 : i32
        %dma_start3A_103 = tpu.memref_slice %arg3[%add3A_95, %dma_start3A_101, %dma_start3A_102] : memref<2530x2x128xi32, #tpu.memory_space<hbm>> -> memref<1x2x128xi32, #tpu.memory_space<hbm>>
        %dma_start3A_104 = tpu.memref_squeeze %dma_start3A_103 : memref<1x2x128xi32, #tpu.memory_space<hbm>> -> memref<2x128xi32, #tpu.memory_space<hbm>>
        tpu.enqueue_dma source(%dma_start3A_104 : memref<2x128xi32, #tpu.memory_space<hbm>>) target(%arg7 : memref<2x128xi32, #tpu.memory_space<vmem>>) target_semaphore(%run_scoped3A_96 : memref<!tpu.dma_semaphore, #tpu.memory_space<semaphore_mem>>)
        %dma_wait3A_105 = arith.constant 0 : i32
        %dma_wait3A_106 = arith.constant 0 : i32
        %dma_wait3A_107 = tpu.memref_slice %arg3[%add3A_95, %dma_wait3A_105, %dma_wait3A_106] : memref<2530x2x128xi32, #tpu.memory_space<hbm>> -> memref<1x2x128xi32, #tpu.memory_space<hbm>>
        %dma_wait3A_108 = tpu.memref_squeeze %dma_wait3A_107 : memref<1x2x128xi32, #tpu.memory_space<hbm>> -> memref<2x128xi32, #tpu.memory_space<hbm>>
        %dma_wait3A_109 = arith.constant 0 : i32
        %dma_wait3A_110 = arith.constant 0 : i32
        %dma_wait3A_111 = tpu.memref_slice %arg3[%add3A_95, %dma_wait3A_109, %dma_wait3A_110] : memref<2530x2x128xi32, #tpu.memory_space<hbm>> -> memref<1x2x128xi32, #tpu.memory_space<hbm>>
        %dma_wait3A_112 = tpu.memref_squeeze %dma_wait3A_111 : memref<1x2x128xi32, #tpu.memory_space<hbm>> -> memref<2x128xi32, #tpu.memory_space<hbm>>
        tpu.wait_dma2 semaphore(%run_scoped3A_96 : memref<!tpu.dma_semaphore, #tpu.memory_space<semaphore_mem>>) src(%dma_wait3A_112 : memref<2x128xi32, #tpu.memory_space<hbm>>) dst(%arg7 : memref<2x128xi32, #tpu.memory_space<vmem>>)
        tpu.yield
      }) : () -> ()
    }
    %dma_wait3A = arith.constant 0 : i32
    %dma_wait3A_47 = arith.constant 0 : i32
    %dma_wait3A_48 = tpu.memref_slice %arg6[%dma_wait3A, %dma_wait3A_47] : memref<2x128xi32, #tpu.memory_space<vmem>> -> memref<1x128xi32, #tpu.memory_space<vmem>>
    %dma_wait3A_49 = tpu.memref_squeeze %dma_wait3A_48 : memref<1x128xi32, #tpu.memory_space<vmem>> -> memref<128xi32, #tpu.memory_space<vmem>>
    %dma_wait3A_50 = arith.constant 0 : i32
    %dma_wait3A_51 = arith.constant 0 : i32
    %dma_wait3A_52 = tpu.memref_slice %arg2[%dma_wait3A_50, %dma_wait3A_51] : memref<10000x128xf32, #tpu.memory_space<hbm>> -> memref<10000x128xf32, #tpu.memory_space<hbm>>
    tpu.wait_indirect_dma semaphore(%arg11 : memref<!tpu.dma_semaphore, #tpu.memory_space<semaphore_mem>>) src(%dma_wait3A_52 : memref<10000x128xf32, #tpu.memory_space<hbm>>) dst(%arg8 : memref<128x128xf32, #tpu.memory_space<vmem>>)
    %run_scoped3A = arith.constant 1 : i32
    "tpu.region"() ({
      %run_scoped3A_58 = tpu.sem_alloc : memref<!tpu.dma_semaphore, #tpu.memory_space<semaphore_mem>>
      %dma_start3A_59 = arith.constant 0 : i32
      %dma_start3A_60 = tpu.memref_slice %arg6[%run_scoped3A, %dma_start3A_59] : memref<2x128xi32, #tpu.memory_space<vmem>> -> memref<1x128xi32, #tpu.memory_space<vmem>>
      %dma_start3A_61 = tpu.memref_squeeze %dma_start3A_60 : memref<1x128xi32, #tpu.memory_space<vmem>> -> memref<128xi32, #tpu.memory_space<vmem>>
      %dma_start3A_62 = arith.constant 0 : i32
      %dma_start3A_63 = arith.constant 0 : i32
      %dma_start3A_64 = tpu.memref_slice %arg10[%dma_start3A_62, %dma_start3A_63] : memref<10112x128xf32, #tpu.memory_space<vmem_shared>> -> memref<10112x128xf32, #tpu.memory_space<vmem_shared>>
      tpu.enqueue_indirect_dma source(%arg8 : memref<128x128xf32, #tpu.memory_space<vmem>>) target(%dma_start3A_64 : memref<10112x128xf32, #tpu.memory_space<vmem_shared>>) offsets(%dma_start3A_61 : memref<128xi32, #tpu.memory_space<vmem>>) semaphore(%run_scoped3A_58 : memref<!tpu.dma_semaphore, #tpu.memory_space<semaphore_mem>>) {add = true}
      %dma_wait3A_65 = arith.constant 0 : i32
      %dma_wait3A_66 = tpu.memref_slice %arg6[%run_scoped3A, %dma_wait3A_65] : memref<2x128xi32, #tpu.memory_space<vmem>> -> memref<1x128xi32, #tpu.memory_space<vmem>>
      %dma_wait3A_67 = tpu.memref_squeeze %dma_wait3A_66 : memref<1x128xi32, #tpu.memory_space<vmem>> -> memref<128xi32, #tpu.memory_space<vmem>>
      %dma_wait3A_68 = arith.constant 0 : i32
      %dma_wait3A_69 = arith.constant 0 : i32
      %dma_wait3A_70 = tpu.memref_slice %arg10[%dma_wait3A_68, %dma_wait3A_69] : memref<10112x128xf32, #tpu.memory_space<vmem_shared>> -> memref<10112x128xf32, #tpu.memory_space<vmem_shared>>
      tpu.wait_indirect_dma semaphore(%run_scoped3A_58 : memref<!tpu.dma_semaphore, #tpu.memory_space<semaphore_mem>>) src(%arg8 : memref<128x128xf32, #tpu.memory_space<vmem>>) dst(%dma_wait3A_70 : memref<10112x128xf32, #tpu.memory_space<vmem_shared>>)
      tpu.yield
    }) : () -> ()
    %barrier3A_53 = arith.constant 0 : index
    tpu.barrier barrier_id(%barrier3A_53)
    %mul3A_54 = arith.constant 632 : i32
    %mul3A_55 = arith.muli %arg1, %mul3A_54 : i32
    %mul3A_56 = arith.constant 632 : i32
    %mul3A_57 = arith.muli %arg1, %mul3A_56 : i32
    "tpu.region"() ({
      %run_scoped3A_58 = tpu.sem_alloc : memref<!tpu.dma_semaphore, #tpu.memory_space<semaphore_mem>>
      %dma_start3A_59 = arith.constant 0 : i32
      %dma_start3A_60 = arith.constant 0 : i32
      %dma_start3A_61 = tpu.memref_slice %arg5[%arg0, %dma_start3A_59, %dma_start3A_60] : memref<2x10112x128xf32, #tpu.memory_space<hbm>> -> memref<1x10112x128xf32, #tpu.memory_space<hbm>>
      %dma_start3A_62 = tpu.memref_squeeze %dma_start3A_61 : memref<1x10112x128xf32, #tpu.memory_space<hbm>> -> memref<10112x128xf32, #tpu.memory_space<hbm>>
      %dma_start3A_63 = arith.constant 0 : i32
      %dma_start3A_64 = tpu.memref_slice %dma_start3A_62[%mul3A_57, %dma_start3A_63] : memref<10112x128xf32, #tpu.memory_space<hbm>> -> memref<632x128xf32, #tpu.memory_space<hbm>>
      %dma_start3A_65 = arith.constant 0 : i32
      %dma_start3A_66 = tpu.memref_slice %arg10[%mul3A_55, %dma_start3A_65] : memref<10112x128xf32, #tpu.memory_space<vmem_shared>> -> memref<632x128xf32, #tpu.memory_space<vmem_shared>>
      tpu.enqueue_dma source(%dma_start3A_66 : memref<632x128xf32, #tpu.memory_space<vmem_shared>>) target(%dma_start3A_64 : memref<632x128xf32, #tpu.memory_space<hbm>>) target_semaphore(%run_scoped3A_58 : memref<!tpu.dma_semaphore, #tpu.memory_space<semaphore_mem>>)
      %dma_wait3A_67 = arith.constant 0 : i32
      %dma_wait3A_68 = arith.constant 0 : i32
      %dma_wait3A_69 = tpu.memref_slice %arg5[%arg0, %dma_wait3A_67, %dma_wait3A_68] : memref<2x10112x128xf32, #tpu.memory_space<hbm>> -> memref<1x10112x128xf32, #tpu.memory_space<hbm>>
      %dma_wait3A_70 = tpu.memref_squeeze %dma_wait3A_69 : memref<1x10112x128xf32, #tpu.memory_space<hbm>> -> memref<10112x128xf32, #tpu.memory_space<hbm>>
      %dma_wait3A_71 = arith.constant 0 : i32
      %dma_wait3A_72 = tpu.memref_slice %dma_wait3A_70[%mul3A_57, %dma_wait3A_71] : memref<10112x128xf32, #tpu.memory_space<hbm>> -> memref<632x128xf32, #tpu.memory_space<hbm>>
      %dma_wait3A_73 = arith.constant 0 : i32
      %dma_wait3A_74 = tpu.memref_slice %arg10[%mul3A_55, %dma_wait3A_73] : memref<10112x128xf32, #tpu.memory_space<vmem_shared>> -> memref<632x128xf32, #tpu.memory_space<vmem_shared>>
      tpu.wait_dma2 semaphore(%run_scoped3A_58 : memref<!tpu.dma_semaphore, #tpu.memory_space<semaphore_mem>>) src(%dma_wait3A_74 : memref<632x128xf32, #tpu.memory_space<vmem_shared>>) dst(%dma_wait3A_72 : memref<632x128xf32, #tpu.memory_space<hbm>>)
      tpu.yield
    }) : () -> ()
    return
  }
}

module attributes {stable_mosaic.version = 14 : i64} {
  func.func @_pre_body(%arg0: i32, %arg1: memref<2000x128xf32, #tpu.memory_space<vmem>>, %arg2: memref<128x128xf32, #tpu.memory_space<vmem>>, %arg3: memref<1x128xf32, #tpu.memory_space<vmem>>, %arg4: memref<2000x128xf32, #tpu.memory_space<vmem>>) attributes {dimension_semantics = [#tpu.dimension_semantics<arbitrary>], iteration_bounds = array<i64: 5>, scalar_prefetch = 0 : i64, scratch_operands = 0 : i64, tpu.core_type = #tpu.core_type<tc>, window_params = [{transform_indices = @transform_0, window_bounds = array<i64: 2000, 128>}, {pipeline_mode = #tpu.pipeline_mode<synchronous>, transform_indices = @transform_1, window_bounds = array<i64: 128, 128>}, {pipeline_mode = #tpu.pipeline_mode<synchronous>, transform_indices = @transform_2, window_bounds = array<i64: 1, 128>}, {transform_indices = @transform_3, window_bounds = array<i64: 2000, 128>}]} {
    %get3A = arith.constant 0 : index
    %get3A_0 = arith.constant 0 : index
    %get3A_1 = vector.load %arg1[%get3A, %get3A_0] : memref<2000x128xf32, #tpu.memory_space<vmem>>, vector<2000x128xf32>
    %get3A_2 = arith.constant 0 : index
    %get3A_3 = arith.constant 0 : index
    %get3A_4 = vector.load %arg2[%get3A_2, %get3A_3] : memref<128x128xf32, #tpu.memory_space<vmem>>, vector<128x128xf32>
    %dot_general3A = arith.constant dense<0.000000e+00> : vector<2000x128xf32>
    %dot_general3A_5 = tpu.matmul %get3A_1, %get3A_4, %dot_general3A {dimension_numbers = #tpu.dot_dimension_numbers<[1], [0], [0], [1], [0, 0, 1, 1], [], []>, transpose_lhs_hint = false} : vector<2000x128xf32>, vector<128x128xf32>, vector<2000x128xf32> -> vector<2000x128xf32>
    %get3A_6 = arith.constant 0 : index
    %get3A_7 = arith.constant 0 : index
    %get3A_8 = vector.load %arg3[%get3A_6, %get3A_7] : memref<1x128xf32, #tpu.memory_space<vmem>>, vector<1x128xf32>
    %add3A = vector.broadcast %get3A_8 : vector<1x128xf32> to vector<2000x128xf32>
    %add3A_9 = arith.addf %dot_general3A_5, %add3A : vector<2000x128xf32>
    %max3A = arith.constant 0.000000e+00 : f32
    %max3A_10 = vector.broadcast %max3A : f32 to vector<2000x128xf32>
    %max3A_11 = arith.maximumf %add3A_9, %max3A_10 : vector<2000x128xf32>
    %swap3A = arith.constant 0 : index
    %swap3A_12 = arith.constant 0 : index
    %swap3A_13 = vector.load %arg4[%swap3A, %swap3A_12] : memref<2000x128xf32, #tpu.memory_space<vmem>>, vector<2000x128xf32>
    tpu.vector_store %arg4[%swap3A, %swap3A_12], %max3A_11 {strides = array<i32>} : memref<2000x128xf32, #tpu.memory_space<vmem>>, vector<2000x128xf32>,
    return
  }
  func.func @transform_0(%arg0: i32) -> (i32, i32) {
    %c0_i32 = arith.constant 0 : i32
    %c0_i32_0 = arith.constant 0 : i32
    return %arg0, %c0_i32 : i32, i32
  }
  func.func @transform_1(%arg0: i32) -> (i32, i32) {
    %c0_i32 = arith.constant 0 : i32
    %c0_i32_0 = arith.constant 0 : i32
    %c0_i32_1 = arith.constant 0 : i32
    return %c0_i32, %c0_i32_0 : i32, i32
  }
  func.func @transform_2(%arg0: i32) -> (i32, i32) {
    %c0_i32 = arith.constant 0 : i32
    %c0_i32_0 = arith.constant 0 : i32
    %c0_i32_1 = arith.constant 0 : i32
    return %c0_i32, %c0_i32_0 : i32, i32
  }
  func.func @transform_3(%arg0: i32) -> (i32, i32) {
    %c0_i32 = arith.constant 0 : i32
    %c0_i32_0 = arith.constant 0 : i32
    return %arg0, %c0_i32 : i32, i32
  }
}

module attributes {stable_mosaic.version = 14 : i64} {
  func.func @_mid_body(%arg0: i32, %arg1: memref<2x2000x128xf32, #tpu.memory_space<vmem>>, %arg2: memref<128x128xf32, #tpu.memory_space<vmem>>, %arg3: memref<1x128xf32, #tpu.memory_space<vmem>>, %arg4: memref<2000x128xf32, #tpu.memory_space<vmem>>) attributes {dimension_semantics = [#tpu.dimension_semantics<arbitrary>], iteration_bounds = array<i64: 5>, scalar_prefetch = 0 : i64, scratch_operands = 0 : i64, tpu.core_type = #tpu.core_type<tc>, window_params = [{transform_indices = @transform_0, window_bounds = array<i64: 2, 2000, 128>}, {pipeline_mode = #tpu.pipeline_mode<synchronous>, transform_indices = @transform_1, window_bounds = array<i64: 128, 128>}, {pipeline_mode = #tpu.pipeline_mode<synchronous>, transform_indices = @transform_2, window_bounds = array<i64: 1, 128>}, {transform_indices = @transform_3, window_bounds = array<i64: 2000, 128>}]} {
    %get3A = arith.constant 0 : index
    %get3A_0 = arith.constant 0 : index
    %get3A_1 = arith.constant 0 : index
    %get3A_2 = vector.load %arg1[%get3A, %get3A_0, %get3A_1] : memref<2x2000x128xf32, #tpu.memory_space<vmem>>, vector<1x2000x128xf32>
    %get3A_3 = vector.shape_cast %get3A_2 : vector<1x2000x128xf32> to vector<2000x128xf32>
    %get3A_4 = arith.constant 1 : index
    %get3A_5 = arith.constant 0 : index
    %get3A_6 = arith.constant 0 : index
    %get3A_7 = vector.load %arg1[%get3A_4, %get3A_5, %get3A_6] : memref<2x2000x128xf32, #tpu.memory_space<vmem>>, vector<1x2000x128xf32>
    %get3A_8 = vector.shape_cast %get3A_7 : vector<1x2000x128xf32> to vector<2000x128xf32>
    %add3A = arith.addf %get3A_3, %get3A_8 : vector<2000x128xf32>
    %get3A_9 = arith.constant 0 : index
    %get3A_10 = arith.constant 0 : index
    %get3A_11 = vector.load %arg2[%get3A_9, %get3A_10] : memref<128x128xf32, #tpu.memory_space<vmem>>, vector<128x128xf32>
    %dot_general3A = arith.constant dense<0.000000e+00> : vector<2000x128xf32>
    %dot_general3A_12 = tpu.matmul %add3A, %get3A_11, %dot_general3A {dimension_numbers = #tpu.dot_dimension_numbers<[1], [0], [0], [1], [0, 0, 1, 1], [], []>, transpose_lhs_hint = false} : vector<2000x128xf32>, vector<128x128xf32>, vector<2000x128xf32> -> vector<2000x128xf32>
    %get3A_13 = arith.constant 0 : index
    %get3A_14 = arith.constant 0 : index
    %get3A_15 = vector.load %arg3[%get3A_13, %get3A_14] : memref<1x128xf32, #tpu.memory_space<vmem>>, vector<1x128xf32>
    %add3A_16 = vector.broadcast %get3A_15 : vector<1x128xf32> to vector<2000x128xf32>
    %add3A_17 = arith.addf %dot_general3A_12, %add3A_16 : vector<2000x128xf32>
    %max3A = arith.constant 0.000000e+00 : f32
    %max3A_18 = vector.broadcast %max3A : f32 to vector<2000x128xf32>
    %max3A_19 = arith.maximumf %add3A_17, %max3A_18 : vector<2000x128xf32>
    %swap3A = arith.constant 0 : index
    %swap3A_20 = arith.constant 0 : index
    %swap3A_21 = vector.load %arg4[%swap3A, %swap3A_20] : memref<2000x128xf32, #tpu.memory_space<vmem>>, vector<2000x128xf32>
    tpu.vector_store %arg4[%swap3A, %swap3A_20], %max3A_19 {strides = array<i32>} : memref<2000x128xf32, #tpu.memory_space<vmem>>, vector<2000x128xf32>,
    return
  }
  func.func @transform_0(%arg0: i32) -> (i32, i32, i32) {
    %c0_i32 = arith.constant 0 : i32
    %c0_i32_0 = arith.constant 0 : i32
    %c0_i32_1 = arith.constant 0 : i32
    return %c0_i32, %arg0, %c0_i32_0 : i32, i32, i32
  }
  func.func @transform_1(%arg0: i32) -> (i32, i32) {
    %c0_i32 = arith.constant 0 : i32
    %c0_i32_0 = arith.constant 0 : i32
    %c0_i32_1 = arith.constant 0 : i32
    return %c0_i32, %c0_i32_0 : i32, i32
  }
  func.func @transform_2(%arg0: i32) -> (i32, i32) {
    %c0_i32 = arith.constant 0 : i32
    %c0_i32_0 = arith.constant 0 : i32
    %c0_i32_1 = arith.constant 0 : i32
    return %c0_i32, %c0_i32_0 : i32, i32
  }
  func.func @transform_3(%arg0: i32) -> (i32, i32) {
    %c0_i32 = arith.constant 0 : i32
    %c0_i32_0 = arith.constant 0 : i32
    return %arg0, %c0_i32 : i32, i32
  }
}

module attributes {stable_mosaic.version = 14 : i64} {
  func.func @_final_body(%arg0: i32, %arg1: memref<2x2000x128xf32, #tpu.memory_space<vmem>>, %arg2: memref<128x128xf32, #tpu.memory_space<vmem>>, %arg3: memref<1x128xf32, #tpu.memory_space<vmem>>, %arg4: memref<128x128xf32, #tpu.memory_space<vmem>>, %arg5: memref<1x128xf32, #tpu.memory_space<vmem>>, %arg6: memref<2000x128xf32, #tpu.memory_space<vmem>>) attributes {dimension_semantics = [#tpu.dimension_semantics<arbitrary>], iteration_bounds = array<i64: 5>, scalar_prefetch = 0 : i64, scratch_operands = 0 : i64, tpu.core_type = #tpu.core_type<tc>, window_params = [{transform_indices = @transform_0, window_bounds = array<i64: 2, 2000, 128>}, {pipeline_mode = #tpu.pipeline_mode<synchronous>, transform_indices = @transform_1, window_bounds = array<i64: 128, 128>}, {pipeline_mode = #tpu.pipeline_mode<synchronous>, transform_indices = @transform_2, window_bounds = array<i64: 1, 128>}, {pipeline_mode = #tpu.pipeline_mode<synchronous>, transform_indices = @transform_3, window_bounds = array<i64: 128, 128>}, {pipeline_mode = #tpu.pipeline_mode<synchronous>, transform_indices = @transform_4, window_bounds = array<i64: 1, 128>}, {transform_indices = @transform_5, window_bounds = array<i64: 2000, 128>}]} {
    %get3A = arith.constant 0 : index
    %get3A_0 = arith.constant 0 : index
    %get3A_1 = arith.constant 0 : index
    %get3A_2 = vector.load %arg1[%get3A, %get3A_0, %get3A_1] : memref<2x2000x128xf32, #tpu.memory_space<vmem>>, vector<1x2000x128xf32>
    %get3A_3 = vector.shape_cast %get3A_2 : vector<1x2000x128xf32> to vector<2000x128xf32>
    %get3A_4 = arith.constant 1 : index
    %get3A_5 = arith.constant 0 : index
    %get3A_6 = arith.constant 0 : index
    %get3A_7 = vector.load %arg1[%get3A_4, %get3A_5, %get3A_6] : memref<2x2000x128xf32, #tpu.memory_space<vmem>>, vector<1x2000x128xf32>
    %get3A_8 = vector.shape_cast %get3A_7 : vector<1x2000x128xf32> to vector<2000x128xf32>
    %add3A = arith.addf %get3A_3, %get3A_8 : vector<2000x128xf32>
    %get3A_9 = arith.constant 0 : index
    %get3A_10 = arith.constant 0 : index
    %get3A_11 = vector.load %arg2[%get3A_9, %get3A_10] : memref<128x128xf32, #tpu.memory_space<vmem>>, vector<128x128xf32>
    %dot_general3A = arith.constant dense<0.000000e+00> : vector<2000x128xf32>
    %dot_general3A_12 = tpu.matmul %add3A, %get3A_11, %dot_general3A {dimension_numbers = #tpu.dot_dimension_numbers<[1], [0], [0], [1], [0, 0, 1, 1], [], []>, transpose_lhs_hint = false} : vector<2000x128xf32>, vector<128x128xf32>, vector<2000x128xf32> -> vector<2000x128xf32>
    %get3A_13 = arith.constant 0 : index
    %get3A_14 = arith.constant 0 : index
    %get3A_15 = vector.load %arg3[%get3A_13, %get3A_14] : memref<1x128xf32, #tpu.memory_space<vmem>>, vector<1x128xf32>
    %add3A_16 = vector.broadcast %get3A_15 : vector<1x128xf32> to vector<2000x128xf32>
    %add3A_17 = arith.addf %dot_general3A_12, %add3A_16 : vector<2000x128xf32>
    %max3A = arith.constant 0.000000e+00 : f32
    %max3A_18 = vector.broadcast %max3A : f32 to vector<2000x128xf32>
    %max3A_19 = arith.maximumf %add3A_17, %max3A_18 : vector<2000x128xf32>
    %mul3A = arith.mulf %max3A_19, %max3A_19 : vector<2000x128xf32>
    %reduce_sum3A = arith.constant dense<0.000000e+00> : vector<2000xf32>
    %reduce_sum3A_20 = vector.multi_reduction <add>, %mul3A, %reduce_sum3A [1] : vector<2000x128xf32> to vector<2000xf32>
    %broadcast_in_dim3A = vector.shape_cast %reduce_sum3A_20 : vector<2000xf32> to vector<2000x1xf32>
    %sqrt3A = math.sqrt %broadcast_in_dim3A : vector<2000x1xf32>
    %add3A_21 = arith.constant 9.99999996E-13 : f32
    %add3A_22 = vector.broadcast %add3A_21 : f32 to vector<2000x1xf32>
    %add3A_23 = arith.addf %sqrt3A, %add3A_22 : vector<2000x1xf32>
    %div3A = vector.broadcast %add3A_23 : vector<2000x1xf32> to vector<2000x128xf32>
    %div3A_24 = arith.divf %max3A_19, %div3A : vector<2000x128xf32>
    %get3A_25 = arith.constant 0 : index
    %get3A_26 = arith.constant 0 : index
    %get3A_27 = vector.load %arg4[%get3A_25, %get3A_26] : memref<128x128xf32, #tpu.memory_space<vmem>>, vector<128x128xf32>
    %dot_general3A_28 = arith.constant dense<0.000000e+00> : vector<2000x128xf32>
    %dot_general3A_29 = tpu.matmul %div3A_24, %get3A_27, %dot_general3A_28 {dimension_numbers = #tpu.dot_dimension_numbers<[1], [0], [0], [1], [0, 0, 1, 1], [], []>, transpose_lhs_hint = false} : vector<2000x128xf32>, vector<128x128xf32>, vector<2000x128xf32> -> vector<2000x128xf32>
    %get3A_30 = arith.constant 0 : index
    %get3A_31 = arith.constant 0 : index
    %get3A_32 = vector.load %arg5[%get3A_30, %get3A_31] : memref<1x128xf32, #tpu.memory_space<vmem>>, vector<1x128xf32>
    %add3A_33 = vector.broadcast %get3A_32 : vector<1x128xf32> to vector<2000x128xf32>
    %add3A_34 = arith.addf %dot_general3A_29, %add3A_33 : vector<2000x128xf32>
    %swap3A = arith.constant 0 : index
    %swap3A_35 = arith.constant 0 : index
    %swap3A_36 = vector.load %arg6[%swap3A, %swap3A_35] : memref<2000x128xf32, #tpu.memory_space<vmem>>, vector<2000x128xf32>
    tpu.vector_store %arg6[%swap3A, %swap3A_35], %add3A_34 {strides = array<i32>} : memref<2000x128xf32, #tpu.memory_space<vmem>>, vector<2000x128xf32>,
    return
  }
  func.func @transform_0(%arg0: i32) -> (i32, i32, i32) {
    %c0_i32 = arith.constant 0 : i32
    %c0_i32_0 = arith.constant 0 : i32
    %c0_i32_1 = arith.constant 0 : i32
    return %c0_i32, %arg0, %c0_i32_0 : i32, i32, i32
  }
  func.func @transform_1(%arg0: i32) -> (i32, i32) {
    %c0_i32 = arith.constant 0 : i32
    %c0_i32_0 = arith.constant 0 : i32
    %c0_i32_1 = arith.constant 0 : i32
    return %c0_i32, %c0_i32_0 : i32, i32
  }
  func.func @transform_2(%arg0: i32) -> (i32, i32) {
    %c0_i32 = arith.constant 0 : i32
    %c0_i32_0 = arith.constant 0 : i32
    %c0_i32_1 = arith.constant 0 : i32
    return %c0_i32, %c0_i32_0 : i32, i32
  }
  func.func @transform_3(%arg0: i32) -> (i32, i32) {
    %c0_i32 = arith.constant 0 : i32
    %c0_i32_0 = arith.constant 0 : i32
    %c0_i32_1 = arith.constant 0 : i32
    return %c0_i32, %c0_i32_0 : i32, i32
  }
  func.func @transform_4(%arg0: i32) -> (i32, i32) {
    %c0_i32 = arith.constant 0 : i32
    %c0_i32_0 = arith.constant 0 : i32
    %c0_i32_1 = arith.constant 0 : i32
    return %c0_i32, %c0_i32_0 : i32, i32
  }
  func.func @transform_5(%arg0: i32) -> (i32, i32) {
    %c0_i32 = arith.constant 0 : i32
    %c0_i32_0 = arith.constant 0 : i32
    return %arg0, %c0_i32 : i32, i32
  }
}

</mosaic_0001>

<sc_bundles>
// kernel: kernel.10.cloned.1.call-start
scs
__scs_entry_jumppad:
0x0: {  	(pc) =	sbr.rel $0x88, $3  }
0x1: {  	(tag) =	ssettag $0x0;
	lr =	simm.s32 $0x1  }
0x2: {  	[smem:$0x3F97] =	sst lr;
	_ =	strace $0xD0000000  }
0x3: {  	_ = 	snop  }
0x4: {  	_ = 	snop  }
0x5: {  	_ = 	snop  }
0x6: {  	_ = 	snop  }
0x7: {  	_ = 	snop  }
__scs_overlays_trampoline_lowered:
0x8: {  	[smem:$0x3FA6] =	sst s0  }
0x9: {  	[smem:$0x3FA7] =	sst s1  }
0xa: {  	[smem:$0x3FA8] =	sst s2  }
0xb: {  	[smem:$0x3FA9] =	sst s3  }
0xc: {  	[smem:$0x3FAA] =	sst s4  }
0xd: {  	[smem:$0x3FAB] =	sst s5  }
0xe: {  	[smem:$0x3FAC] =	sst s6  }
0xf: {  	[smem:$0x3FAD] =	sst s7  }
0x10: {  	[smem:$0x3FAE] =	sst s8  }
0x11: {  	[smem:$0x3FAF] =	sst s9;
	s0 =	simm.s32 @!p0 $0x0  }
0x12: {  	s1 =	sld [smem:$0x3F95];
	s0 =	simm.s32 @p0 $0x1  }
0x13: {  	[smem:$0x3FB0] =	sst s0;
	s0 =	simm.s32 @!p1 $0x0  }
0x14: {  	s2 =	sld [smem:$0x3F94];
	s0 =	simm.s32 @p1 $0x1  }
0x15: {  	[smem:$0x3FB1] =	sst s0;
	s0 =	simm.s32 @!p2 $0x0  }
0x16: {  	s3 =	sld [smem:$0x3FDB];
	s0 =	simm.s32 @p2 $0x1  }
0x17: {  	s4 =	simm.s32 $0x1BF5;
	[smem:$0x3FB3] =	sst s0  }
0x18: {  	s0 =	sld [smem:$0x3F96];
	_ =	swait.ge [sflag:s4], $0x0  }
0x19: {  	s7 =	sld [smem:$0x3F97]  }
0x1a: {  	s8 =	sadd.s32 $0xFFFFE003, lr  }
0x1b: {  	s9 =	sadd.s32 $0xFFFFFEF7, lr;
	s5 =	simm.s32 $0xFFFFFFFF;
	p2 =	slt.u32 s8, $0xFFFFF086  }
0x1c: {  	p1 =	slt.u32 s9, $0xF7A;
	s5 =	simm.s32 @!p2 $0x0  }
0x1d: {  	s5 =	simm.s32 @p1 $0x1;
	p0 =	seq.s32 s7, s2  }
0x1e: {  	s7 =	smul.u32 @!p0 $0xF7A, s2;
	p2 =	seq.s32 @!p0 s5, $0x0  }
0x1f: {  	s9 =	smul.u32 $0xF7A, s1;
	s8 =	simm.s32 @!p0 $0x1BF5;
	p2 =	por !p2, p0  }
0x20: {  	[sflag:s8] =	ssyncset.s32 @!p0 $0xFFFFF086;
	s6 =	sadd.s32 @!p0 s3, s7;
	s7 =	simm.s32 @!p0 $0x108  }
0x21: {  	s3 =	sadd.s32 s3, s9;
	s6 =	sadd.s32 @!p0 $0x88, s6;
	s7 =	simm.s32 @p2 $0x1082  }
0x22: {  	[simem:s7], [sflag:s8] =	dma.local @!p0 [hbm:s6], $0xF7A  }
0x23: {  	s9 =	sor.u32 $0xD0000000, s2;
	s6 =	simm.s32 $0x108;
	_ =	swait.ge @!p0 [sflag:s8], $0x0  }
0x24: {  	s3 =	sadd.s32 $0x88, s3;
	s6 =	simm.s32 @!p1 $0x1082;
	[sflag:s4] =	ssyncset.s32 $0xFFFFF086  }
0x25: {  	[simem:s6], [sflag:s4] =	dma.local [hbm:s3], $0xF7A  }
0x26: {  	[smem:$0x3F97] =	sst s1;
	(tag) =	ssettag s2;
	_ =	strace s9  }
0x27: {  	s1 =	sld [smem:$0x3FA7]  }
0x28: {  	s2 =	sld [smem:$0x3FA8]  }
0x29: {  	s4 =	sld [smem:$0x3FAA]  }
0x2a: {  	p0 =	seq.s32 s5, $0x0;
	s5 =	sld [smem:$0x3FAB]  }
0x2b: {  	s6 =	sld [smem:$0x3FAC]  }
0x2c: {  	s7 =	sld [smem:$0x3FAD]  }
0x2d: {  	s3 =	simm.s32 $0x108;
	s8 =	sld [smem:$0x3FAE]  }
0x2e: {  	s3 =	simm.s32 @!p0 $0x1082;
	s9 =	sld [smem:$0x3FAF]  }
0x2f: {  	lr =	sadd.s32 s0, s3;
	s0 =	sld [smem:$0x3FA6]  }
0x30: {  	s3 =	sld [smem:$0x3FA9]  }
0x31: {  	[smem:$0x3FB2] =	sst s10  }
0x32: {  	s10 =	sld [smem:$0x3FB0];
	_ =	sdelay $0x3  }
0x33: {  	p0 =	seq.s32 s10, $0x1;
	s10 =	sld [smem:$0x3FB2];
	_ =	sdelay $0x3  }
0x34: {  	[smem:$0x3FB2] =	sst s10  }
0x35: {  	s10 =	sld [smem:$0x3FB1];
	_ =	sdelay $0x3  }
0x36: {  	p1 =	seq.s32 s10, $0x1;
	s10 =	sld [smem:$0x3FB2];
	_ =	sdelay $0x3  }
0x37: {  	[smem:$0x3FB2] =	sst s10  }
0x38: {  	s10 =	sld [smem:$0x3FB3]  }
0x39: {  	_ = 	snop;
	(pc) =	sbr.ind lr, $3  }
0x3a: {  	_ = 	snop  }
0x3b: {  	_ = 	snop  }
0x3c: {  	p2 =	seq.s32 s10, $0x1;
	s10 =	sld [smem:$0x3FB2]  }
0x3d: {  	_ =	shalt  }
0x3e: {  	_ =	shalt  }
0x3f: {  	_ =	shalt  }
0x40: {  	_ =	shalt  }
0x41: {  	_ =	shalt  }
0x42: {  	_ =	shalt  }
0x43: {  	_ =	shalt  }
0x44: {  	_ =	shalt  }
0x45: {  	_ =	shalt  }
0x46: {  	_ =	shalt  }
0x47: {  	_ =	shalt  }
0x48: {  	_ =	shalt  }
0x49: {  	_ =	shalt  }
0x4a: {  	_ =	shalt  }
0x4b: {  	_ =	shalt  }
0x4c: {  	_ =	shalt  }
0x4d: {  	_ =	shalt  }
0x4e: {  	_ =	shalt  }
0x4f: {  	_ =	shalt  }
0x50: {  	_ =	shalt  }
0x51: {  	_ =	shalt  }
0x52: {  	_ =	shalt  }
0x53: {  	_ =	shalt  }
0x54: {  	_ =	shalt  }
0x55: {  	_ =	shalt  }
0x56: {  	_ =	shalt  }
0x57: {  	_ =	shalt  }
0x58: {  	_ =	shalt  }
0x59: {  	_ =	shalt  }
0x5a: {  	_ =	shalt  }
0x5b: {  	_ =	shalt  }
0x5c: {  	_ =	shalt  }
0x5d: {  	_ =	shalt  }
0x5e: {  	_ =	shalt  }
0x5f: {  	_ =	shalt  }
0x60: {  	_ =	shalt  }
0x61: {  	_ =	shalt  }
0x62: {  	_ =	shalt  }
0x63: {  	_ =	shalt  }
0x64: {  	_ =	shalt  }
0x65: {  	_ =	shalt  }
0x66: {  	_ =	shalt  }
0x67: {  	_ =	shalt  }
0x68: {  	_ =	shalt  }
0x69: {  	_ =	shalt  }
0x6a: {  	_ =	shalt  }
0x6b: {  	_ =	shalt  }
0x6c: {  	_ =	shalt  }
0x6d: {  	_ =	shalt  }
0x6e: {  	_ =	shalt  }
0x6f: {  	_ =	shalt  }
0x70: {  	_ =	shalt  }
0x71: {  	_ =	shalt  }
0x72: {  	_ =	shalt  }
0x73: {  	_ =	shalt  }
0x74: {  	_ =	shalt  }
0x75: {  	_ =	shalt  }
0x76: {  	_ =	shalt  }
0x77: {  	_ =	shalt  }
0x78: {  	_ =	shalt  }
0x79: {  	_ =	shalt  }
0x7a: {  	_ =	shalt  }
0x7b: {  	_ =	shalt  }
0x7c: {  	_ =	shalt  }
0x7d: {  	_ =	shalt  }
0x7e: {  	_ =	shalt  }
0x7f: {  	_ =	shalt  }
0x80: {  	_ =	shalt  }
0x81: {  	_ =	shalt  }
0x82: {  	_ =	shalt  }
0x83: {  	_ =	shalt  }
0x84: {  	_ =	shalt  }
0x85: {  	_ =	shalt  }
0x86: {  	_ =	shalt  }
0x87: {  	_ =	shalt  }
.Lfunc_end0:
.L_simem_size_0:
called_computation.1_lowered:
.L_overlay_start_0:
0x88: {  	s2 =	sld [smem:$0x3FD9]  }
0x89: {  	s3 =	sld [smem:$0x3FFE];
	_ =	sdelay $0x1  }
0x8a: {  	s1 =	srdreg.scid  }
0x8b: {  	s0 =	sand.u32 $0x1, s1  }
0x8c: {  	s17 =	sshll.u32 s0, $0xA;
	s2 =	sadd.s32 s3, s2  }
0x8d: {  	s2 =	sadd.s32 s2, s17  }
0x8e: {  	[smem:$0x3FBE] =	sst s2  }
0x8f: {  	_ = 	snop  }
0x90: {  	s2 =	sld [smem:$0x3FD0];
	(tm) =	ssettm $0x1  }
0x91: {  	s18 =	sld [smem:$0x3FFB];
	_ =	sdelay $0x3  }
0x92: {  	_ =	strace s18  }
0x93: {  	s3 =	sld [smem:$0x3FFC];
	_ =	sdelay $0x3  }
0x94: {  	_ =	strace s3  }
0x95: {  	s3 =	sld [smem:$0x3FFD];
	_ =	sdelay $0x3  }
0x96: {  	_ =	strace s3  }
0x97: {  	_ =	strace $0x8FFFFFFF  }
0x98: {  	s19 =	sld [smem:$0x3FDB];
	_ =	sdelay $0x1  }
0x99: {  	s4 =	simm.s32 $_scs_section_size  }
0x9a: {  	s5 =	simm.s32 $_size__tile_overlayer_lowered;
	s6 =	simm.s32 $_tile_overlayer_lowered  }
0x9b: {  	s22 =	simm.s32 $0x1BFF;
	s21 =	sshll.u32 s6, $0x1;
	s3 =	sadd.s32 s4, s19  }
0x9c: {  	s7 =	simm.s32 $0x0;
	s20 =	sshll.u32 s5, $0x1;
	s5 =	sadd.s32 s21, s3  }
0x9d: {  	[timem:s7], [sflag:s22] =	dma.local [hbm:s5], s20  }
0x9e: {  	_ =	swait.ge [sflag:s22], s20  }
0x9f: {  	s4 =	ssub.s32 $0x0, s20;
	[sflag:s22] =	ssyncset.done $0x0  }
0xa0: {  	[sflag:s22] =	ssyncadd.s32 s4;
	_ =	sdelay $0x1  }
0xa1: {  	s23 =	simm.s32 $0x1B8B  }
0xa2: {  	_ =	swait.ge [sflag:s23], $0x1  }
0xa3: {  	[sflag:s23] =	ssyncset.done $0x0  }
0xa4: {  	s25 =	simm.s32 $0x1B8E;
	s24 =	sld [smem:$0x3FFE];
	[sflag:s23] =	ssyncadd.s32 $0xFFFFFFFF  }
0xa5: {  	s26 =	simm.s32 $execute0_lowered;
	[smem:$0x3FD2] =	sst s25  }
0xa6: {  	s5 =	sshll.u32 s26, $0x1;
	_ =	strace $0x80000049;
	[dreg:$0x1] =	wrdreg $0xFFFFFFFF  }
0xa7: {  	s28 =	simm.s32 $_size_execute0_lowered;
	s3 =	sadd.s32 s3, s5;
	[dreg:$0x0] =	wrdreg $0x0  }
0xa8: {  	s5 =	sshll.u32 s28, $0x1;
	[dreg:$0x2] =	wrdreg s3  }
0xa9: {  	[dreg:$0x3] =	wrdreg s5  }
0xaa: {  	[dreg:$0x4] =	wrdreg $0xC0  }
0xab: {  	_ =	task [dreg:s7], $0x5FFFF  }
0xac: {  	[dreg:$0x1] =	wrdreg $0xFFFFFFFF  }
0xad: {  	[dreg:$0x0] =	wrdreg $0x60  }
0xae: {  	[dreg:$0x2] =	wrdreg s2  }
0xaf: {  	[dreg:$0x3] =	wrdreg s24  }
0xb0: {  	[dreg:$0x4] =	wrdreg $0x82000  }
0xb1: {  	[dreg:$0x5] =	wrdreg $0x9  }
0xb2: {  	_ =	task.clear_ibuf [dreg:s7], $0x6FFFF;
	_ =	strace $0x90000049  }
0xb3: {  	s29 =	simm.s32 $0x9;
	_ =	strace $0x8000004B  }
0xb4: {  	_ =	swait.ge [sflag:s29], $0x1  }
0xb5: {  	[sflag:s29] =	ssyncadd.s32 $0xFFFFFFFF  }
0xb6: {  	_ =	strace $0x9000004B  }
0xb7: {  	_ =	sfence  }
0xb8: {  	s30 =	sld [smem:$0x0];
	_ =	sdelay $0x2  }
0xb9: {  	s31 =	sshll.u32 s1, $0xD;
	s1 =	sshrl.u32 s1, $0x2  }
0xba: {  	s3 =	sand.u32 $0x4000, s31;
	s1 =	sadd.s32 s1, s30  }
0xbb: {  	s0 =	sor.u32 s3, s0;
	s1 =	sshll.u32 s1, $0x11  }
0xbc: {  	s0 =	sor.u32 s1, s0  }
0xbd: {  	s0 =	sadd.s32 $0x8F2B, s0  }
0xbe: {  	[sflag:s0] =	ssyncadd.remote.s32 $0x1  }
0xbf: {  	_ =	sfence.sel $0xFFFF  }
0xc0: {  	[dreg:$0x0] =	wrdreg $0xFFFFFFFF;
	(pc) =	sbr.abs _section_cstart, $3  }
0xc1: {  	[dreg:$0x1] =	wrdreg $0xFFFFFFFF  }
0xc2: {  	_ =	task.clear_ibuf [dreg:s7], $0x2FFFF;
	_ =	strace $0x9FFFFFFF  }
0xc3: {  	(tm) =	ssettm $0x7FFFFFFF  }
tec
execute0_lowered:
.L_overlay_start_1:
0x0: {  	(tag) =	ssettag $0x1  }
0x1: {  	s2 =	rddreg [dreg:$0x0]  }
0x2: {  	s6 =	rddreg [dreg:$0x1]  }
0x3: {  	s3 =	rddreg [dreg:$0x2]  }
0x4: {  	s0 =	stileid.u32;
	s4 =	srdreg.scid  }
0x5: {  	s1 =	rddreg [dreg:$0x3];
	s14 =	simm.s32 $0x80;
	s15 =	simm.s32 $0x200  }
0x6: {  	s16 =	simm.s32 $0x100;
	s17 =	simm.s32 $0x4200;
	s5 =	smul.u32 $0x17, s0  }
0x7: {  	s18 =	simm.s32 $0x1;
	s19 =	simm.s32 $0x2;
	s8 =	smul.u32 $0x87, s0  }
0x8: {  	s20 =	simm.s32 $0x180;
	s7 =	sand.u32 $0x1, s4;
	s9 =	smul.u32 $0x4F000, s0  }
0x9: {  	s4 =	simm.s32 $0x0;
	s31 =	sshll.u32 s0, $0x6;
	s22 =	smul.u32 $0x2780, s0  }
0xa: {  	p0 =	seq.s32 s7, $0x0;
	[smem:$0x7FF] =	sst s4;
	s28 =	smul.u32 $0x27800, s7  }
0xb: {  	s7 =	ssub.s32 $0x2, s7;
	s5 =	sadd.s32 $0x870, s5;
	_ =	strace $0x8000004A  }
0xc: {  	s29 =	sshrl.u32 s7, $0x1;
	s30 =	sshrl.u32 s9, $0x2;
	s5 =	smov.u32 @p0 s8  }
0xd: {  	s10 =	sadd.s32 s28, s6;
	s12 =	ssub.s32 s7, s29;
	s7 =	simm.s32 $0x43  }
0xe: {  	s13 =	sadd.s32 s30, s3;
	s5 =	sshll.u32 s5, $0x5;
	s7 =	simm.s32 @!p0 $0xB  }
0xf: {  	s21 =	sadd.s32 $0x18600, s10;
	s10 =	smax.u32 s12, $0x1;
	s12 =	sshrl.u32 s13, $0x3  }
0x10: {  	s13 =	simm.s32 $0x3;
	s11 =	sadd.s32 s5, s6;
	s5 =	sadd.s32 $0x15E00, s6  }
0x11: {  	s6 =	sor.u32 $0x1C03, s31;
	s21 =	sadd.s32 s22, s21;
	s22 =	simm.s32 $0x0  }
0x12: {  	s8 =	sadd.s32 $0x2000, s11;
	s9 =	sadd.s32 $0x2020, s11;
	s11 =	sadd.s32 $0x2040, s11  }
.LBB2_1:
0x13: {  	[spmem:s12], [sflag:s6] =	dma.local [hbm:s5], $0x2780  }
0x14: {  	_ =	swait.ge [sflag:s13], $0x2780  }
0x15: {  	[sflag:s13] =	ssyncset.done $0x0  }
0x16: {  	[sflag:s13] =	ssyncadd.s32 $0xFFFFD880  }
0x17: {  	[tilespmem:s4], [sflag:$0x3] =	stream.linear.gather [hbm4b:s8+s4], $0x100, $0x38;
	[tilespmem:$0x1BE00] =	vst v63  }
0x18: {  	_ =	swait.ge [sflag:s13], $0x100  }
0x19: {  	[sflag:s13] =	ssyncset.done $0x0  }
0x1a: {  	[sflag:s13] =	ssyncadd.s32 $0xFFFFFF00  }
0x1b: {  	[bflag:$0x0] =	sbarrier.arrive $0xFFFF  }
0x1c: {  	[tilespmem:s15], [sflag:$0x1] =	stream.indirect.gather [hbm4b:s2+s14], $0x80, s4, s14, $0xb8;
	[tilespmem:$0x1BE00] =	vst v63  }
0x1d: {  	_ = 	snop  }
0x1e: {  	[tilespmem:s16], [sflag:$0x3] =	stream.linear.gather [hbm4b:s9+s4], $0x100, $0x38;
	[tilespmem:$0x1BE00] =	vst v63  }
0x1f: {  	_ =	swait.ge [sflag:s13], $0x100  }
0x20: {  	[sflag:s13] =	ssyncset.done $0x0  }
0x21: {  	[sflag:s13] =	ssyncadd.s32 $0xFFFFFF00  }
0x22: {  	[tilespmem:s17], [sflag:$0x2] =	stream.indirect.gather [hbm4b:s2+s14], $0x80, s16, s14, $0xb8;
	[tilespmem:$0x1BE00] =	vst v63  }
0x23: {  	_ =	swait.ge [sflag:s18], $0x4000  }
0x24: {  	[sflag:s18] =	ssyncset.done $0x0  }
0x25: {  	[sflag:s18] =	ssyncadd.s32 $0xFFFFC000  }
0x26: {  	[spmem:s3] =	stream.indirect.scatter.add.f32 [tilespmem:s15], [sflag:$0x3], $0x80, s14, s14, $0xb8;
	[tilespmem:$0x1BE00] =	vst v63  }
0x27: {  	_ =	swait.ge [sflag:s13], $0x4000  }
0x28: {  	[sflag:s13] =	ssyncset.done $0x0  }
0x29: {  	[sflag:s13] =	ssyncadd.s32 $0xFFFFC000  }
0x2a: {  	[tilespmem:s4], [sflag:$0x3] =	stream.linear.gather [hbm4b:s11+s4], $0x100, $0x38;
	[tilespmem:$0x1BE00] =	vst v63  }
0x2b: {  	_ =	swait.ge [sflag:s13], $0x100  }
0x2c: {  	[sflag:s13] =	ssyncset.done $0x0  }
0x2d: {  	[sflag:s13] =	ssyncadd.s32 $0xFFFFFF00  }
0x2e: {  	[tilespmem:s15], [sflag:$0x1] =	stream.indirect.gather [hbm4b:s2+s14], $0x80, s4, s14, $0xb8;
	[tilespmem:$0x1BE00] =	vst v63  }
0x2f: {  	_ =	swait.ge [sflag:s19], $0x4000  }
0x30: {  	[sflag:s19] =	ssyncset.done $0x0  }
0x31: {  	[sflag:s19] =	ssyncadd.s32 $0xFFFFC000  }
0x32: {  	[spmem:s3] =	stream.indirect.scatter.add.f32 [tilespmem:s17], [sflag:$0x3], $0x80, s20, s14, $0xb8;
	[tilespmem:$0x1BE00] =	vst v63  }
0x33: {  	p0 =	sne.s32 s7, $0x1;
	_ =	swait.ge [sflag:s13], $0x4000  }
.Ltmp0:
0x34: {  	[sflag:s13] =	ssyncset.done $0x0;
	(pc) =	sbr.rel @!p0 .LBB2_3-.Ltmp0, $4  }
0x35: {  	s23 =	sadd.s32 $0x20, s11;
	[sflag:s13] =	ssyncadd.s32 $0xFFFFC000  }
0x36: {  	[tilespmem:s16], [sflag:$0x3] =	stream.linear.gather [hbm4b:s23+s4], $0x100, $0x38;
	[tilespmem:$0x1BE00] =	vst v63  }
0x37: {  	_ =	swait.ge [sflag:s13], $0x100  }
0x38: {  	s24 =	smov.u32 s11;
	s23 =	sadd.s32 $0xFFFFFFFF, s7;
	[sflag:s13] =	ssyncset.done $0x0  }
.LBB2_2:
0x39: {  	p0 =	sne.s32 s23, $0x1;
	[sflag:s13] =	ssyncadd.s32 $0xFFFFFF00;
	s24 =	sadd.s32 $0x40, s24  }
0x3a: {  	[tilespmem:s17], [sflag:$0x2] =	stream.indirect.gather [hbm4b:s2+s14], $0x80, s16, s14, $0xb8;
	[tilespmem:$0x1BE00] =	vst v63  }
0x3b: {  	s23 =	sadd.s32 $0xFFFFFFFF, s23;
	_ =	swait.ge [sflag:s18], $0x4000  }
0x3c: {  	[sflag:s18] =	ssyncset.done $0x0  }
0x3d: {  	[sflag:s18] =	ssyncadd.s32 $0xFFFFC000  }
0x3e: {  	[spmem:s3] =	stream.indirect.scatter.add.f32 [tilespmem:s15], [sflag:$0x3], $0x80, s14, s14, $0xb8;
	[tilespmem:$0x1BE00] =	vst v63  }
0x3f: {  	_ =	swait.ge [sflag:s13], $0x4000  }
0x40: {  	[sflag:s13] =	ssyncset.done $0x0  }
0x41: {  	[sflag:s13] =	ssyncadd.s32 $0xFFFFC000  }
0x42: {  	[tilespmem:s4], [sflag:$0x3] =	stream.linear.gather [hbm4b:s24+s4], $0x100, $0x38;
	[tilespmem:$0x1BE00] =	vst v63  }
0x43: {  	_ =	swait.ge [sflag:s13], $0x100  }
0x44: {  	[sflag:s13] =	ssyncset.done $0x0  }
0x45: {  	[sflag:s13] =	ssyncadd.s32 $0xFFFFFF00  }
0x46: {  	[tilespmem:s15], [sflag:$0x1] =	stream.indirect.gather [hbm4b:s2+s14], $0x80, s4, s14, $0xb8;
	[tilespmem:$0x1BE00] =	vst v63  }
0x47: {  	_ =	swait.ge [sflag:s19], $0x4000  }
0x48: {  	[sflag:s19] =	ssyncset.done $0x0  }
0x49: {  	[sflag:s19] =	ssyncadd.s32 $0xFFFFC000  }
0x4a: {  	[spmem:s3] =	stream.indirect.scatter.add.f32 [tilespmem:s17], [sflag:$0x3], $0x80, s20, s14, $0xb8;
	[tilespmem:$0x1BE00] =	vst v63  }
0x4b: {  	_ =	swait.ge [sflag:s13], $0x4000  }
.Ltmp1:
0x4c: {  	[sflag:s13] =	ssyncset.done $0x0;
	(pc) =	sbr.rel @p0 .LBB2_2-.Ltmp1, $4  }
0x4d: {  	s25 =	sadd.s32 $0x20, s24;
	[sflag:s13] =	ssyncadd.s32 $0xFFFFC000  }
0x4e: {  	[tilespmem:s16], [sflag:$0x3] =	stream.linear.gather [hbm4b:s25+s4], $0x100, $0x38;
	[tilespmem:$0x1BE00] =	vst v63  }
0x4f: {  	_ =	swait.ge [sflag:s13], $0x100  }
0x50: {  	[sflag:s13] =	ssyncset.done $0x0  }
.LBB2_3:
0x51: {  	[sflag:s13] =	ssyncadd.s32 $0xFFFFFF00  }
0x52: {  	_ =	swait.ge [sflag:s18], $0x4000  }
0x53: {  	[sflag:s18] =	ssyncset.done $0x0  }
0x54: {  	[sflag:s18] =	ssyncadd.s32 $0xFFFFC000  }
0x55: {  	[spmem:s3] =	stream.indirect.scatter.add.f32 [tilespmem:s15], [sflag:$0x3], $0x80, s14, s14, $0xb8;
	[tilespmem:$0x1BE00] =	vst v63  }
0x56: {  	_ =	swait.ge [sflag:s13], $0x4000  }
0x57: {  	s22 =	sadd.s32 $0x1, s22;
	[sflag:s13] =	ssyncset.done $0x0  }
0x58: {  	p0 =	sne.s32 s22, s10;
	[sflag:s13] =	ssyncadd.s32 $0xFFFFC000  }
.Ltmp2:
0x59: {  	[bflag:$0x0] =	sbarrier.arrive $0xFFFF;
	(pc) =	sbr.rel @p0 .LBB2_1-.Ltmp2, $4  }
0x5a: {  	[hbm:s21], [sflag:s6] =	dma.local [spmem:s12], $0x2780  }
0x5b: {  	_ =	swait.ge [sflag:s13], $0x2780  }
0x5c: {  	[sflag:s13] =	ssyncset.done $0x0  }
0x5d: {  	[sflag:s13] =	ssyncadd.s32 $0xFFFFD880  }
0x5e: {  	_ =	sfence.sel $0x180000  }
0x5f: {  	[bflag:$0x0] =	sbarrier.arrive $0xFFFF  }
0x60: {  	p0 =	sne.s32 s0, $0x0;
	_ =	strace $0x9000004A  }
0x61: {  	s0 =	sadd.s32 @!p0 $0x100000, s1;
	[bflag:$0x2] =	sbarrier.arrive $0xFFFF  }
0x62: {  	[sflag:s0] =	ssyncadd.tile.s32 @!p0 $0x1;
	_ =	shalt  }
.Lfunc_end2:
_tile_overlayer_lowered:
.L_overlay_start_2:
0x63: {  	(tag) =	ssettag $0x2  }
0x64: {  	s0 =	rddreg [dreg:$0x0];
	s2 =	stileid.u32  }
0x65: {  	s1 =	rddreg [dreg:$0x1];
	p0 =	sne.s32 s2, $0x0  }
0x66: {  	s3 =	rddreg [dreg:$0x2];
	[bflag:$0x3] =	sbarrier.arrive $0xFFFF;
	s2 =	simm.s32 @!p0 $0x1C03  }
0x67: {  	[timem:s3], [sflag:s2] =	dma.local @!p0 [hbm:s0], s1  }
0x68: {  	s0 =	simm.s32 @!p0 $0x3  }
0x69: {  	_ =	swait.ge @!p0 [sflag:s0], s1  }
0x6a: {  	s1 =	ssub.s32 @!p0 $0x0, s1;
	[sflag:s0] =	ssyncset.done @!p0 $0x0  }
0x6b: {  	[sflag:s0] =	ssyncadd.s32 @!p0 s1  }
0x6c: {  	[bflag:$0x3] =	sbarrier.arrive $0xFFFF  }
0x6d: {  	_ =	shalt  }

// kernel: kernel.7.cloned.1.call-start
scs
__scs_entry_jumppad:
0x0: {  	(pc) =	sbr.rel $0x88, $3  }
0x1: {  	(tag) =	ssettag $0x0;
	lr =	simm.s32 $0x1  }
0x2: {  	[smem:$0x3F97] =	sst lr;
	_ =	strace $0xD0000000  }
0x3: {  	_ = 	snop  }
0x4: {  	_ = 	snop  }
0x5: {  	_ = 	snop  }
0x6: {  	_ = 	snop  }
0x7: {  	_ = 	snop  }
__scs_overlays_trampoline_lowered:
0x8: {  	[smem:$0x3FA6] =	sst s0  }
0x9: {  	[smem:$0x3FA7] =	sst s1  }
0xa: {  	[smem:$0x3FA8] =	sst s2  }
0xb: {  	[smem:$0x3FA9] =	sst s3  }
0xc: {  	[smem:$0x3FAA] =	sst s4  }
0xd: {  	[smem:$0x3FAB] =	sst s5  }
0xe: {  	[smem:$0x3FAC] =	sst s6  }
0xf: {  	[smem:$0x3FAD] =	sst s7  }
0x10: {  	[smem:$0x3FAE] =	sst s8  }
0x11: {  	[smem:$0x3FAF] =	sst s9;
	s0 =	simm.s32 @!p0 $0x0  }
0x12: {  	s1 =	sld [smem:$0x3F95];
	s0 =	simm.s32 @p0 $0x1  }
0x13: {  	[smem:$0x3FB0] =	sst s0;
	s0 =	simm.s32 @!p1 $0x0  }
0x14: {  	s2 =	sld [smem:$0x3F94];
	s0 =	simm.s32 @p1 $0x1  }
0x15: {  	[smem:$0x3FB1] =	sst s0;
	s0 =	simm.s32 @!p2 $0x0  }
0x16: {  	s3 =	sld [smem:$0x3FDB];
	s0 =	simm.s32 @p2 $0x1  }
0x17: {  	s4 =	simm.s32 $0x1BF5;
	[smem:$0x3FB3] =	sst s0  }
0x18: {  	s0 =	sld [smem:$0x3F96];
	_ =	swait.ge [sflag:s4], $0x0  }
0x19: {  	s7 =	sld [smem:$0x3F97]  }
0x1a: {  	s8 =	sadd.s32 $0xFFFFE003, lr  }
0x1b: {  	s9 =	sadd.s32 $0xFFFFFEF7, lr;
	s5 =	simm.s32 $0xFFFFFFFF;
	p2 =	slt.u32 s8, $0xFFFFF086  }
0x1c: {  	p1 =	slt.u32 s9, $0xF7A;
	s5 =	simm.s32 @!p2 $0x0  }
0x1d: {  	s5 =	simm.s32 @p1 $0x1;
	p0 =	seq.s32 s7, s2  }
0x1e: {  	s7 =	smul.u32 @!p0 $0xF7A, s2;
	p2 =	seq.s32 @!p0 s5, $0x0  }
0x1f: {  	s9 =	smul.u32 $0xF7A, s1;
	s8 =	simm.s32 @!p0 $0x1BF5;
	p2 =	por !p2, p0  }
0x20: {  	[sflag:s8] =	ssyncset.s32 @!p0 $0xFFFFF086;
	s6 =	sadd.s32 @!p0 s3, s7;
	s7 =	simm.s32 @!p0 $0x108  }
0x21: {  	s3 =	sadd.s32 s3, s9;
	s6 =	sadd.s32 @!p0 $0x88, s6;
	s7 =	simm.s32 @p2 $0x1082  }
0x22: {  	[simem:s7], [sflag:s8] =	dma.local @!p0 [hbm:s6], $0xF7A  }
0x23: {  	s9 =	sor.u32 $0xD0000000, s2;
	s6 =	simm.s32 $0x108;
	_ =	swait.ge @!p0 [sflag:s8], $0x0  }
0x24: {  	s3 =	sadd.s32 $0x88, s3;
	s6 =	simm.s32 @!p1 $0x1082;
	[sflag:s4] =	ssyncset.s32 $0xFFFFF086  }
0x25: {  	[simem:s6], [sflag:s4] =	dma.local [hbm:s3], $0xF7A  }
0x26: {  	[smem:$0x3F97] =	sst s1;
	(tag) =	ssettag s2;
	_ =	strace s9  }
0x27: {  	s1 =	sld [smem:$0x3FA7]  }
0x28: {  	s2 =	sld [smem:$0x3FA8]  }
0x29: {  	s4 =	sld [smem:$0x3FAA]  }
0x2a: {  	p0 =	seq.s32 s5, $0x0;
	s5 =	sld [smem:$0x3FAB]  }
0x2b: {  	s6 =	sld [smem:$0x3FAC]  }
0x2c: {  	s7 =	sld [smem:$0x3FAD]  }
0x2d: {  	s3 =	simm.s32 $0x108;
	s8 =	sld [smem:$0x3FAE]  }
0x2e: {  	s3 =	simm.s32 @!p0 $0x1082;
	s9 =	sld [smem:$0x3FAF]  }
0x2f: {  	lr =	sadd.s32 s0, s3;
	s0 =	sld [smem:$0x3FA6]  }
0x30: {  	s3 =	sld [smem:$0x3FA9]  }
0x31: {  	[smem:$0x3FB2] =	sst s10  }
0x32: {  	s10 =	sld [smem:$0x3FB0];
	_ =	sdelay $0x3  }
0x33: {  	p0 =	seq.s32 s10, $0x1;
	s10 =	sld [smem:$0x3FB2];
	_ =	sdelay $0x3  }
0x34: {  	[smem:$0x3FB2] =	sst s10  }
0x35: {  	s10 =	sld [smem:$0x3FB1];
	_ =	sdelay $0x3  }
0x36: {  	p1 =	seq.s32 s10, $0x1;
	s10 =	sld [smem:$0x3FB2];
	_ =	sdelay $0x3  }
0x37: {  	[smem:$0x3FB2] =	sst s10  }
0x38: {  	s10 =	sld [smem:$0x3FB3]  }
0x39: {  	_ = 	snop;
	(pc) =	sbr.ind lr, $3  }
0x3a: {  	_ = 	snop  }
0x3b: {  	_ = 	snop  }
0x3c: {  	p2 =	seq.s32 s10, $0x1;
	s10 =	sld [smem:$0x3FB2]  }
0x3d: {  	_ =	shalt  }
0x3e: {  	_ =	shalt  }
0x3f: {  	_ =	shalt  }
0x40: {  	_ =	shalt  }
0x41: {  	_ =	shalt  }
0x42: {  	_ =	shalt  }
0x43: {  	_ =	shalt  }
0x44: {  	_ =	shalt  }
0x45: {  	_ =	shalt  }
0x46: {  	_ =	shalt  }
0x47: {  	_ =	shalt  }
0x48: {  	_ =	shalt  }
0x49: {  	_ =	shalt  }
0x4a: {  	_ =	shalt  }
0x4b: {  	_ =	shalt  }
0x4c: {  	_ =	shalt  }
0x4d: {  	_ =	shalt  }
0x4e: {  	_ =	shalt  }
0x4f: {  	_ =	shalt  }
0x50: {  	_ =	shalt  }
0x51: {  	_ =	shalt  }
0x52: {  	_ =	shalt  }
0x53: {  	_ =	shalt  }
0x54: {  	_ =	shalt  }
0x55: {  	_ =	shalt  }
0x56: {  	_ =	shalt  }
0x57: {  	_ =	shalt  }
0x58: {  	_ =	shalt  }
0x59: {  	_ =	shalt  }
0x5a: {  	_ =	shalt  }
0x5b: {  	_ =	shalt  }
0x5c: {  	_ =	shalt  }
0x5d: {  	_ =	shalt  }
0x5e: {  	_ =	shalt  }
0x5f: {  	_ =	shalt  }
0x60: {  	_ =	shalt  }
0x61: {  	_ =	shalt  }
0x62: {  	_ =	shalt  }
0x63: {  	_ =	shalt  }
0x64: {  	_ =	shalt  }
0x65: {  	_ =	shalt  }
0x66: {  	_ =	shalt  }
0x67: {  	_ =	shalt  }
0x68: {  	_ =	shalt  }
0x69: {  	_ =	shalt  }
0x6a: {  	_ =	shalt  }
0x6b: {  	_ =	shalt  }
0x6c: {  	_ =	shalt  }
0x6d: {  	_ =	shalt  }
0x6e: {  	_ =	shalt  }
0x6f: {  	_ =	shalt  }
0x70: {  	_ =	shalt  }
0x71: {  	_ =	shalt  }
0x72: {  	_ =	shalt  }
0x73: {  	_ =	shalt  }
0x74: {  	_ =	shalt  }
0x75: {  	_ =	shalt  }
0x76: {  	_ =	shalt  }
0x77: {  	_ =	shalt  }
0x78: {  	_ =	shalt  }
0x79: {  	_ =	shalt  }
0x7a: {  	_ =	shalt  }
0x7b: {  	_ =	shalt  }
0x7c: {  	_ =	shalt  }
0x7d: {  	_ =	shalt  }
0x7e: {  	_ =	shalt  }
0x7f: {  	_ =	shalt  }
0x80: {  	_ =	shalt  }
0x81: {  	_ =	shalt  }
0x82: {  	_ =	shalt  }
0x83: {  	_ =	shalt  }
0x84: {  	_ =	shalt  }
0x85: {  	_ =	shalt  }
0x86: {  	_ =	shalt  }
0x87: {  	_ =	shalt  }
.Lfunc_end0:
.L_simem_size_0:
called_computation_lowered:
.L_overlay_start_0:
0x88: {  	s2 =	sld [smem:$0x3FD9]  }
0x89: {  	s3 =	sld [smem:$0x3FFE];
	_ =	sdelay $0x1  }
0x8a: {  	s1 =	srdreg.scid  }
0x8b: {  	s0 =	sand.u32 $0x1, s1  }
0x8c: {  	s17 =	sshll.u32 s0, $0xA;
	s2 =	sadd.s32 s3, s2  }
0x8d: {  	s2 =	sadd.s32 s2, s17  }
0x8e: {  	[smem:$0x3FBE] =	sst s2  }
0x8f: {  	_ = 	snop  }
0x90: {  	s2 =	sld [smem:$0x3FD0];
	(tm) =	ssettm $0x1  }
0x91: {  	s18 =	sld [smem:$0x3FFB];
	_ =	sdelay $0x3  }
0x92: {  	_ =	strace s18  }
0x93: {  	s3 =	sld [smem:$0x3FFC];
	_ =	sdelay $0x3  }
0x94: {  	_ =	strace s3  }
0x95: {  	s3 =	sld [smem:$0x3FFD];
	_ =	sdelay $0x3  }
0x96: {  	_ =	strace s3  }
0x97: {  	_ =	strace $0x8FFFFFFF  }
0x98: {  	s19 =	sld [smem:$0x3FDB];
	_ =	sdelay $0x1  }
0x99: {  	s4 =	simm.s32 $_scs_section_size  }
0x9a: {  	s5 =	simm.s32 $_size__tile_overlayer_lowered;
	s6 =	simm.s32 $_tile_overlayer_lowered  }
0x9b: {  	s22 =	simm.s32 $0x1BFF;
	s21 =	sshll.u32 s6, $0x1;
	s3 =	sadd.s32 s4, s19  }
0x9c: {  	s7 =	simm.s32 $0x0;
	s20 =	sshll.u32 s5, $0x1;
	s5 =	sadd.s32 s21, s3  }
0x9d: {  	[timem:s7], [sflag:s22] =	dma.local [hbm:s5], s20  }
0x9e: {  	_ =	swait.ge [sflag:s22], s20  }
0x9f: {  	s4 =	ssub.s32 $0x0, s20;
	[sflag:s22] =	ssyncset.done $0x0  }
0xa0: {  	[sflag:s22] =	ssyncadd.s32 s4;
	_ =	sdelay $0x1  }
0xa1: {  	s23 =	simm.s32 $0x1B8B  }
0xa2: {  	_ =	swait.ge [sflag:s23], $0x1  }
0xa3: {  	[sflag:s23] =	ssyncset.done $0x0  }
0xa4: {  	s25 =	simm.s32 $0x1B8E;
	s24 =	sld [smem:$0x3FFE];
	[sflag:s23] =	ssyncadd.s32 $0xFFFFFFFF  }
0xa5: {  	s26 =	simm.s32 $execute0_lowered;
	[smem:$0x3FD2] =	sst s25  }
0xa6: {  	s5 =	sshll.u32 s26, $0x1;
	_ =	strace $0x80000046;
	[dreg:$0x1] =	wrdreg $0xFFFFFFFF  }
0xa7: {  	s28 =	simm.s32 $_size_execute0_lowered;
	s3 =	sadd.s32 s3, s5;
	[dreg:$0x0] =	wrdreg $0x0  }
0xa8: {  	s5 =	sshll.u32 s28, $0x1;
	[dreg:$0x2] =	wrdreg s3  }
0xa9: {  	[dreg:$0x3] =	wrdreg s5  }
0xaa: {  	[dreg:$0x4] =	wrdreg $0xC0  }
0xab: {  	_ =	task [dreg:s7], $0x5FFFF  }
0xac: {  	[dreg:$0x1] =	wrdreg $0xFFFFFFFF  }
0xad: {  	[dreg:$0x0] =	wrdreg $0x60  }
0xae: {  	[dreg:$0x2] =	wrdreg s2  }
0xaf: {  	[dreg:$0x3] =	wrdreg s24  }
0xb0: {  	[dreg:$0x4] =	wrdreg $0x82000  }
0xb1: {  	[dreg:$0x5] =	wrdreg $0x9  }
0xb2: {  	_ =	task.clear_ibuf [dreg:s7], $0x6FFFF;
	_ =	strace $0x90000046  }
0xb3: {  	s29 =	simm.s32 $0x9;
	_ =	strace $0x80000048  }
0xb4: {  	_ =	swait.ge [sflag:s29], $0x1  }
0xb5: {  	[sflag:s29] =	ssyncadd.s32 $0xFFFFFFFF  }
0xb6: {  	_ =	strace $0x90000048  }
0xb7: {  	_ =	sfence  }
0xb8: {  	s30 =	sld [smem:$0x0];
	_ =	sdelay $0x2  }
0xb9: {  	s31 =	sshll.u32 s1, $0xD;
	s1 =	sshrl.u32 s1, $0x2  }
0xba: {  	s3 =	sand.u32 $0x4000, s31;
	s1 =	sadd.s32 s1, s30  }
0xbb: {  	s0 =	sor.u32 s3, s0;
	s1 =	sshll.u32 s1, $0x11  }
0xbc: {  	s0 =	sor.u32 s1, s0  }
0xbd: {  	s0 =	sadd.s32 $0x8F2B, s0  }
0xbe: {  	[sflag:s0] =	ssyncadd.remote.s32 $0x1  }
0xbf: {  	_ =	sfence.sel $0xFFFF  }
0xc0: {  	[dreg:$0x0] =	wrdreg $0xFFFFFFFF;
	(pc) =	sbr.abs _section_cstart, $3  }
0xc1: {  	[dreg:$0x1] =	wrdreg $0xFFFFFFFF  }
0xc2: {  	_ =	task.clear_ibuf [dreg:s7], $0x2FFFF;
	_ =	strace $0x9FFFFFFF  }
0xc3: {  	(tm) =	ssettm $0x7FFFFFFF  }
tec
execute0_lowered:
.L_overlay_start_1:
0x0: {  	(tag) =	ssettag $0x1  }
0x1: {  	s2 =	rddreg [dreg:$0x0]  }
0x2: {  	s6 =	rddreg [dreg:$0x1]  }
0x3: {  	s3 =	rddreg [dreg:$0x2]  }
0x4: {  	s0 =	stileid.u32;
	s4 =	srdreg.scid  }
0x5: {  	s1 =	rddreg [dreg:$0x3];
	s14 =	simm.s32 $0x80;
	s15 =	simm.s32 $0x200  }
0x6: {  	s16 =	simm.s32 $0x100;
	s17 =	simm.s32 $0x4200;
	s5 =	smul.u32 $0x17, s0  }
0x7: {  	s18 =	simm.s32 $0x1;
	s19 =	simm.s32 $0x2;
	s8 =	smul.u32 $0x87, s0  }
0x8: {  	s20 =	simm.s32 $0x180;
	s7 =	sand.u32 $0x1, s4;
	s9 =	smul.u32 $0x4F000, s0  }
0x9: {  	s4 =	simm.s32 $0x0;
	s31 =	sshll.u32 s0, $0x6;
	s22 =	smul.u32 $0x2780, s0  }
0xa: {  	p0 =	seq.s32 s7, $0x0;
	[smem:$0x7FF] =	sst s4;
	s28 =	smul.u32 $0x27800, s7  }
0xb: {  	s7 =	ssub.s32 $0x2, s7;
	s5 =	sadd.s32 $0x870, s5;
	_ =	strace $0x80000047  }
0xc: {  	s29 =	sshrl.u32 s7, $0x1;
	s30 =	sshrl.u32 s9, $0x2;
	s5 =	smov.u32 @p0 s8  }
0xd: {  	s10 =	sadd.s32 s28, s6;
	s12 =	ssub.s32 s7, s29;
	s7 =	simm.s32 $0x43  }
0xe: {  	s13 =	sadd.s32 s30, s3;
	s5 =	sshll.u32 s5, $0x5;
	s7 =	simm.s32 @!p0 $0xB  }
0xf: {  	s21 =	sadd.s32 $0x18600, s10;
	s10 =	smax.u32 s12, $0x1;
	s12 =	sshrl.u32 s13, $0x3  }
0x10: {  	s13 =	simm.s32 $0x3;
	s11 =	sadd.s32 s5, s6;
	s5 =	sadd.s32 $0x15E00, s6  }
0x11: {  	s6 =	sor.u32 $0x1C03, s31;
	s21 =	sadd.s32 s22, s21;
	s22 =	simm.s32 $0x0  }
0x12: {  	s8 =	sadd.s32 $0x2000, s11;
	s9 =	sadd.s32 $0x2020, s11;
	s11 =	sadd.s32 $0x2040, s11  }
.LBB2_1:
0x13: {  	[spmem:s12], [sflag:s6] =	dma.local [hbm:s5], $0x2780  }
0x14: {  	_ =	swait.ge [sflag:s13], $0x2780  }
0x15: {  	[sflag:s13] =	ssyncset.done $0x0  }
0x16: {  	[sflag:s13] =	ssyncadd.s32 $0xFFFFD880  }
0x17: {  	[tilespmem:s4], [sflag:$0x3] =	stream.linear.gather [hbm4b:s8+s4], $0x100, $0x38;
	[tilespmem:$0x1BE00] =	vst v63  }
0x18: {  	_ =	swait.ge [sflag:s13], $0x100  }
0x19: {  	[sflag:s13] =	ssyncset.done $0x0  }
0x1a: {  	[sflag:s13] =	ssyncadd.s32 $0xFFFFFF00  }
0x1b: {  	[bflag:$0x0] =	sbarrier.arrive $0xFFFF  }
0x1c: {  	[tilespmem:s15], [sflag:$0x1] =	stream.indirect.gather [hbm4b:s2+s14], $0x80, s4, s14, $0xb8;
	[tilespmem:$0x1BE00] =	vst v63  }
0x1d: {  	_ = 	snop  }
0x1e: {  	[tilespmem:s16], [sflag:$0x3] =	stream.linear.gather [hbm4b:s9+s4], $0x100, $0x38;
	[tilespmem:$0x1BE00] =	vst v63  }
0x1f: {  	_ =	swait.ge [sflag:s13], $0x100  }
0x20: {  	[sflag:s13] =	ssyncset.done $0x0  }
0x21: {  	[sflag:s13] =	ssyncadd.s32 $0xFFFFFF00  }
0x22: {  	[tilespmem:s17], [sflag:$0x2] =	stream.indirect.gather [hbm4b:s2+s14], $0x80, s16, s14, $0xb8;
	[tilespmem:$0x1BE00] =	vst v63  }
0x23: {  	_ =	swait.ge [sflag:s18], $0x4000  }
0x24: {  	[sflag:s18] =	ssyncset.done $0x0  }
0x25: {  	[sflag:s18] =	ssyncadd.s32 $0xFFFFC000  }
0x26: {  	[spmem:s3] =	stream.indirect.scatter.add.f32 [tilespmem:s15], [sflag:$0x3], $0x80, s14, s14, $0xb8;
	[tilespmem:$0x1BE00] =	vst v63  }
0x27: {  	_ =	swait.ge [sflag:s13], $0x4000  }
0x28: {  	[sflag:s13] =	ssyncset.done $0x0  }
0x29: {  	[sflag:s13] =	ssyncadd.s32 $0xFFFFC000  }
0x2a: {  	[tilespmem:s4], [sflag:$0x3] =	stream.linear.gather [hbm4b:s11+s4], $0x100, $0x38;
	[tilespmem:$0x1BE00] =	vst v63  }
0x2b: {  	_ =	swait.ge [sflag:s13], $0x100  }
0x2c: {  	[sflag:s13] =	ssyncset.done $0x0  }
0x2d: {  	[sflag:s13] =	ssyncadd.s32 $0xFFFFFF00  }
0x2e: {  	[tilespmem:s15], [sflag:$0x1] =	stream.indirect.gather [hbm4b:s2+s14], $0x80, s4, s14, $0xb8;
	[tilespmem:$0x1BE00] =	vst v63  }
0x2f: {  	_ =	swait.ge [sflag:s19], $0x4000  }
0x30: {  	[sflag:s19] =	ssyncset.done $0x0  }
0x31: {  	[sflag:s19] =	ssyncadd.s32 $0xFFFFC000  }
0x32: {  	[spmem:s3] =	stream.indirect.scatter.add.f32 [tilespmem:s17], [sflag:$0x3], $0x80, s20, s14, $0xb8;
	[tilespmem:$0x1BE00] =	vst v63  }
0x33: {  	p0 =	sne.s32 s7, $0x1;
	_ =	swait.ge [sflag:s13], $0x4000  }
.Ltmp0:
0x34: {  	[sflag:s13] =	ssyncset.done $0x0;
	(pc) =	sbr.rel @!p0 .LBB2_3-.Ltmp0, $4  }
0x35: {  	s23 =	sadd.s32 $0x20, s11;
	[sflag:s13] =	ssyncadd.s32 $0xFFFFC000  }
0x36: {  	[tilespmem:s16], [sflag:$0x3] =	stream.linear.gather [hbm4b:s23+s4], $0x100, $0x38;
	[tilespmem:$0x1BE00] =	vst v63  }
0x37: {  	_ =	swait.ge [sflag:s13], $0x100  }
0x38: {  	s24 =	smov.u32 s11;
	s23 =	sadd.s32 $0xFFFFFFFF, s7;
	[sflag:s13] =	ssyncset.done $0x0  }
.LBB2_2:
0x39: {  	p0 =	sne.s32 s23, $0x1;
	[sflag:s13] =	ssyncadd.s32 $0xFFFFFF00;
	s24 =	sadd.s32 $0x40, s24  }
0x3a: {  	[tilespmem:s17], [sflag:$0x2] =	stream.indirect.gather [hbm4b:s2+s14], $0x80, s16, s14, $0xb8;
	[tilespmem:$0x1BE00] =	vst v63  }
0x3b: {  	s23 =	sadd.s32 $0xFFFFFFFF, s23;
	_ =	swait.ge [sflag:s18], $0x4000  }
0x3c: {  	[sflag:s18] =	ssyncset.done $0x0  }
0x3d: {  	[sflag:s18] =	ssyncadd.s32 $0xFFFFC000  }
0x3e: {  	[spmem:s3] =	stream.indirect.scatter.add.f32 [tilespmem:s15], [sflag:$0x3], $0x80, s14, s14, $0xb8;
	[tilespmem:$0x1BE00] =	vst v63  }
0x3f: {  	_ =	swait.ge [sflag:s13], $0x4000  }
0x40: {  	[sflag:s13] =	ssyncset.done $0x0  }
0x41: {  	[sflag:s13] =	ssyncadd.s32 $0xFFFFC000  }
0x42: {  	[tilespmem:s4], [sflag:$0x3] =	stream.linear.gather [hbm4b:s24+s4], $0x100, $0x38;
	[tilespmem:$0x1BE00] =	vst v63  }
0x43: {  	_ =	swait.ge [sflag:s13], $0x100  }
0x44: {  	[sflag:s13] =	ssyncset.done $0x0  }
0x45: {  	[sflag:s13] =	ssyncadd.s32 $0xFFFFFF00  }
0x46: {  	[tilespmem:s15], [sflag:$0x1] =	stream.indirect.gather [hbm4b:s2+s14], $0x80, s4, s14, $0xb8;
	[tilespmem:$0x1BE00] =	vst v63  }
0x47: {  	_ =	swait.ge [sflag:s19], $0x4000  }
0x48: {  	[sflag:s19] =	ssyncset.done $0x0  }
0x49: {  	[sflag:s19] =	ssyncadd.s32 $0xFFFFC000  }
0x4a: {  	[spmem:s3] =	stream.indirect.scatter.add.f32 [tilespmem:s17], [sflag:$0x3], $0x80, s20, s14, $0xb8;
	[tilespmem:$0x1BE00] =	vst v63  }
0x4b: {  	_ =	swait.ge [sflag:s13], $0x4000  }
.Ltmp1:
0x4c: {  	[sflag:s13] =	ssyncset.done $0x0;
	(pc) =	sbr.rel @p0 .LBB2_2-.Ltmp1, $4  }
0x4d: {  	s25 =	sadd.s32 $0x20, s24;
	[sflag:s13] =	ssyncadd.s32 $0xFFFFC000  }
0x4e: {  	[tilespmem:s16], [sflag:$0x3] =	stream.linear.gather [hbm4b:s25+s4], $0x100, $0x38;
	[tilespmem:$0x1BE00] =	vst v63  }
0x4f: {  	_ =	swait.ge [sflag:s13], $0x100  }
0x50: {  	[sflag:s13] =	ssyncset.done $0x0  }
.LBB2_3:
0x51: {  	[sflag:s13] =	ssyncadd.s32 $0xFFFFFF00  }
0x52: {  	_ =	swait.ge [sflag:s18], $0x4000  }
0x53: {  	[sflag:s18] =	ssyncset.done $0x0  }
0x54: {  	[sflag:s18] =	ssyncadd.s32 $0xFFFFC000  }
0x55: {  	[spmem:s3] =	stream.indirect.scatter.add.f32 [tilespmem:s15], [sflag:$0x3], $0x80, s14, s14, $0xb8;
	[tilespmem:$0x1BE00] =	vst v63  }
0x56: {  	_ =	swait.ge [sflag:s13], $0x4000  }
0x57: {  	s22 =	sadd.s32 $0x1, s22;
	[sflag:s13] =	ssyncset.done $0x0  }
0x58: {  	p0 =	sne.s32 s22, s10;
	[sflag:s13] =	ssyncadd.s32 $0xFFFFC000  }
.Ltmp2:
0x59: {  	[bflag:$0x0] =	sbarrier.arrive $0xFFFF;
	(pc) =	sbr.rel @p0 .LBB2_1-.Ltmp2, $4  }
0x5a: {  	[hbm:s21], [sflag:s6] =	dma.local [spmem:s12], $0x2780  }
0x5b: {  	_ =	swait.ge [sflag:s13], $0x2780  }
0x5c: {  	[sflag:s13] =	ssyncset.done $0x0  }
0x5d: {  	[sflag:s13] =	ssyncadd.s32 $0xFFFFD880  }
0x5e: {  	_ =	sfence.sel $0x180000  }
0x5f: {  	[bflag:$0x0] =	sbarrier.arrive $0xFFFF  }
0x60: {  	p0 =	sne.s32 s0, $0x0;
	_ =	strace $0x90000047  }
0x61: {  	s0 =	sadd.s32 @!p0 $0x100000, s1;
	[bflag:$0x2] =	sbarrier.arrive $0xFFFF  }
0x62: {  	[sflag:s0] =	ssyncadd.tile.s32 @!p0 $0x1;
	_ =	shalt  }
.Lfunc_end2:
_tile_overlayer_lowered:
.L_overlay_start_2:
0x63: {  	(tag) =	ssettag $0x2  }
0x64: {  	s0 =	rddreg [dreg:$0x0];
	s2 =	stileid.u32  }
0x65: {  	s1 =	rddreg [dreg:$0x1];
	p0 =	sne.s32 s2, $0x0  }
0x66: {  	s3 =	rddreg [dreg:$0x2];
	[bflag:$0x3] =	sbarrier.arrive $0xFFFF;
	s2 =	simm.s32 @!p0 $0x1C03  }
0x67: {  	[timem:s3], [sflag:s2] =	dma.local @!p0 [hbm:s0], s1  }
0x68: {  	s0 =	simm.s32 @!p0 $0x3  }
0x69: {  	_ =	swait.ge @!p0 [sflag:s0], s1  }
0x6a: {  	s1 =	ssub.s32 @!p0 $0x0, s1;
	[sflag:s0] =	ssyncset.done @!p0 $0x0  }
0x6b: {  	[sflag:s0] =	ssyncadd.s32 @!p0 s1  }
0x6c: {  	[bflag:$0x3] =	sbarrier.arrive $0xFFFF  }
0x6d: {  	_ =	shalt  }

</sc_bundles>
